<compile_context>
chip_gen: v7x
topology: tpu7x:2x2x1
jax: 0.10.2.dev20260603
libtpu: 0.0.44.dev20260713+nightly
codegen_flags: <defaults>
</compile_context>

<pallas_src>
import functools

import jax
import jax.numpy as jnp
from jax import lax
from jax.experimental import pallas as pl
from jax.experimental.pallas import tpu as pltpu
from jax.experimental.pallas import tpu_sc as plsc

IN_DIM = 1000000
DEPTH = 64
SEQ = 200
BATCH = 4096
ROWS = BATCH * SEQ
NC = 2
NS = 16
LANES = 16
NW = NC * NS
PER_W = ROWS // NW
CHUNK = 400
NCHUNK = PER_W // CHUNK
GSZ = 100
NG = CHUNK // GSZ
TOTAL_CHUNKS = ROWS // CHUNK


def _pos_encoding():
    half = DEPTH // 2
    positions = jnp.arange(SEQ, dtype=jnp.float32)[:, None]
    depths = jnp.arange(half, dtype=jnp.float32)[None, :] / half
    angle_rates = 1.0 / 10000.0 ** depths
    angle_rads = positions * angle_rates
    return jnp.concatenate([jnp.sin(angle_rads), jnp.cos(angle_rads)], axis=-1)


def _make_sc_kernel():
    mesh = plsc.VectorSubcoreMesh(core_axis_name="c", subcore_axis_name="s")

    @functools.partial(
        pl.kernel,
        mesh=mesh,
        compiler_params=pltpu.CompilerParams(use_tc_tiling_on_sc=False),
        out_type=jax.ShapeDtypeStruct((BATCH, SEQ, DEPTH), jnp.float32),
        scratch_types=[
            pltpu.VMEM((2, NG, GSZ), jnp.int32),
            pltpu.VMEM((2, CHUNK, DEPTH), jnp.float32),
            pltpu.VMEM((CHUNK, DEPTH), jnp.float32),
            pltpu.SemaphoreType.DMA,
            pltpu.SemaphoreType.DMA,
            pltpu.SemaphoreType.DMA,
            pltpu.SemaphoreType.DMA,
        ],
    )
    def k(idx_hbm, table_hbm, pos_hbm, out_hbm, idx_v, rows_v, pos_v,
          gsem0, gsem1, wsem0, wsem1):
        wid = lax.axis_index("s") * NC + lax.axis_index("c")
        c0 = wid * NCHUNK
        gsems = (gsem0, gsem1)
        wsems = (wsem0, wsem1)

        pltpu.sync_copy(pos_hbm, pos_v)

        def fire_chunk(c, buf):
            pltpu.sync_copy(idx_hbm.at[c0 + c], idx_v.at[buf])
            for g in range(NG):
                pltpu.async_copy(
                    table_hbm.at[idx_v.at[buf, g]],
                    rows_v.at[buf, pl.ds(g * GSZ, GSZ)],
                    gsems[buf],
                )

        def wait_gathers(buf):
            for g in range(NG):
                pltpu.make_async_copy(
                    table_hbm.at[idx_v.at[buf, 0]],
                    rows_v.at[buf, pl.ds(g * GSZ, GSZ)],
                    gsems[buf],
                ).wait()

        def fire_writes(c, buf):
            for h in range(2):
                pltpu.async_copy(
                    rows_v.at[buf, pl.ds(h * SEQ, SEQ)],
                    out_hbm.at[2 * (c0 + c) + h],
                    wsems[buf],
                )

        def wait_writes(c, buf):
            for h in range(2):
                pltpu.make_async_copy(
                    rows_v.at[buf, pl.ds(h * SEQ, SEQ)],
                    out_hbm.at[2 * (c0 + c) + h],
                    wsems[buf],
                ).wait()

        fire_chunk(0, 0)

        def iter_body(i, carry):
            for buf in range(2):
                c = 2 * i + buf

                @pl.when(jnp.logical_and(c + 1 < NCHUNK, c >= 1))
                def _():
                    wait_writes(c - 1, 1 - buf)

                @pl.when(c + 1 < NCHUNK)
                def _():
                    fire_chunk(c + 1, 1 - buf)

                wait_gathers(buf)

                def row_body(r, rcarry, buf=buf):
                    for j in range(DEPTH // LANES):
                        sl = pl.ds(j * LANES, LANES)
                        plsc.addupdate(rows_v.at[buf, r, sl], pos_v[r, sl])
                    return rcarry

                lax.fori_loop(0, CHUNK, row_body, 0)
                fire_writes(c, buf)
            return carry

        lax.fori_loop(0, NCHUNK // 2, iter_body, 0)
        wait_writes(NCHUNK - 2, 0)
        wait_writes(NCHUNK - 1, 1)

    return k


def kernel(seq, table):
    idx = seq.astype(jnp.int32).reshape(TOTAL_CHUNKS, NG, GSZ)
    pos_tiled = jnp.tile(_pos_encoding(), (CHUNK // SEQ, 1))
    return _make_sc_kernel()(idx, table, pos_tiled)

# --- scband reference (transcript-rebuilt; emitter-appended) ---
"""Pipeline reference for scband-seq-embedding-20787641712830 (READ-ONLY COPY).

The authoritative reference and input builder live on the scoring server;
editing this copy changes nothing except your own understanding.
"""

import jax, jax.numpy as jnp
import numpy as np

IN_DIM = 1000000
DEPTH = 64
MAX_LENGTH = 200
BATCH = 4096
SEQ_LEN = 200


def positional_encoding(max_length, depth):
    half_depth = depth / 2
    positions = jnp.arange(max_length, dtype=jnp.float32)[..., None]
    depths = jnp.arange(half_depth, dtype=jnp.float32)[None, ...] / half_depth
    angle_rates = 1.0 / 10000 ** depths
    angle_rads = positions * angle_rates
    pos_encoding = jnp.concatenate([jnp.sin(angle_rads), jnp.cos(angle_rads)], axis=-1)
    return pos_encoding


def setup_inputs(seed: int = 0) -> dict:
    key = jax.random.key(seed)
    k1, k2 = jax.random.split(key)
    seq = jax.random.randint(k1, (BATCH, SEQ_LEN), 0, IN_DIM, dtype=jnp.int64 if jax.config.jax_enable_x64 else jnp.int32)
    # Embedding table (learned parameter), keras default uniform init
    table = jax.random.uniform(k2, (IN_DIM, DEPTH), dtype=jnp.float32, minval=-0.05, maxval=0.05)
    return {"seq": seq, "table": table}


def reference(seq, table):
    # embedding lookup (gather)
    emb = jnp.take(table, seq, axis=0)  # [B, S, D]
    pos = positional_encoding(MAX_LENGTH, DEPTH)  # [max_length, D]
    s = emb.shape[1]
    b = emb.shape[0]
    x = jnp.repeat(pos[None, :s], repeats=b, axis=0)  # [B, S, D]
    return emb + x

if __name__ == "__main__":
    import jax
    _d = setup_inputs()
    print(jax.jit(kernel)(*tuple(_d.values())))

</pallas_src>

<mosaic_0001>
#map = affine_map<(d0, d1) -> (0, 0, 0)>
#map1 = affine_map<(d0, d1) -> (0, 0)>
module attributes {stable_mosaic.version = 14 : i64} {
  func.func @k(%arg0: i32, %arg1: i32, %arg2: memref<2048x4x100xi32, #tpu.memory_space<hbm>>, %arg3: memref<1000000x64xf32, #tpu.memory_space<hbm>>, %arg4: memref<400x64xf32, #tpu.memory_space<hbm>>, %arg5: memref<4096x200x64xf32, #tpu.memory_space<hbm>>, %arg6: memref<2x4x100xi32, #tpu.memory_space<vmem>>, %arg7: memref<2x400x64xf32, #tpu.memory_space<vmem>>, %arg8: memref<400x64xf32, #tpu.memory_space<vmem>>, %arg9: memref<!tpu.dma_semaphore, #tpu.memory_space<semaphore_mem>>, %arg10: memref<!tpu.dma_semaphore, #tpu.memory_space<semaphore_mem>>, %arg11: memref<!tpu.dma_semaphore, #tpu.memory_space<semaphore_mem>>, %arg12: memref<!tpu.dma_semaphore, #tpu.memory_space<semaphore_mem>>) attributes {dimension_semantics = [#tpu.dimension_semantics<core_parallel>, #tpu.dimension_semantics<subcore_parallel>], iteration_bounds = array<i64: 2, 16>, scalar_prefetch = 0 : i64, scratch_operands = 7 : i64, tpu.core_type = #tpu.core_type<sc_vector_subcore>, window_params = [{transform_indices = #map}, {transform_indices = #map1}, {transform_indices = #map1}, {transform_indices = #map}]} {
    %mul3A = arith.constant 2 : i32
    %mul3A_0 = arith.muli %arg1, %mul3A : i32
    %add3A = arith.addi %mul3A_0, %arg0 : i32
    %mul3A_1 = arith.constant 64 : i32
    %mul3A_2 = arith.muli %add3A, %mul3A_1 : i32
    "tpu.region"() ({
      %run_scoped3A_152 = tpu.sem_alloc : memref<!tpu.dma_semaphore, #tpu.memory_space<semaphore_mem>>
      tpu.enqueue_dma source(%arg4 : memref<400x64xf32, #tpu.memory_space<hbm>>) target(%arg8 : memref<400x64xf32, #tpu.memory_space<vmem>>) target_semaphore(%run_scoped3A_152 : memref<!tpu.dma_semaphore, #tpu.memory_space<semaphore_mem>>)
      tpu.wait_dma2 semaphore(%run_scoped3A_152 : memref<!tpu.dma_semaphore, #tpu.memory_space<semaphore_mem>>) src(%arg4 : memref<400x64xf32, #tpu.memory_space<hbm>>) dst(%arg8 : memref<400x64xf32, #tpu.memory_space<vmem>>)
      tpu.yield
    }) : () -> ()
    %add3A_3 = arith.constant 0 : i32
    %add3A_4 = arith.addi %mul3A_2, %add3A_3 : i32
    %run_scoped3A = arith.constant 0 : i32
    "tpu.region"() ({
      %run_scoped3A_152 = tpu.sem_alloc : memref<!tpu.dma_semaphore, #tpu.memory_space<semaphore_mem>>
      %dma_start3A_153 = arith.constant 0 : i32
      %dma_start3A_154 = arith.constant 0 : i32
      %dma_start3A_155 = tpu.memref_slice %arg6[%run_scoped3A, %dma_start3A_153, %dma_start3A_154] : memref<2x4x100xi32, #tpu.memory_space<vmem>> -> memref<1x4x100xi32, #tpu.memory_space<vmem>>
      %dma_start3A_156 = tpu.memref_squeeze %dma_start3A_155 : memref<1x4x100xi32, #tpu.memory_space<vmem>> -> memref<4x100xi32, #tpu.memory_space<vmem>>
      %dma_start3A_157 = arith.constant 0 : i32
      %dma_start3A_158 = arith.constant 0 : i32
      %dma_start3A_159 = tpu.memref_slice %arg2[%add3A_4, %dma_start3A_157, %dma_start3A_158] : memref<2048x4x100xi32, #tpu.memory_space<hbm>> -> memref<1x4x100xi32, #tpu.memory_space<hbm>>
      %dma_start3A_160 = tpu.memref_squeeze %dma_start3A_159 : memref<1x4x100xi32, #tpu.memory_space<hbm>> -> memref<4x100xi32, #tpu.memory_space<hbm>>
      %dma_start3A_161 = arith.constant 0 : i32
      %dma_start3A_162 = arith.constant 0 : i32
      %dma_start3A_163 = tpu.memref_slice %arg6[%run_scoped3A, %dma_start3A_161, %dma_start3A_162] : memref<2x4x100xi32, #tpu.memory_space<vmem>> -> memref<1x4x100xi32, #tpu.memory_space<vmem>>
      %dma_start3A_164 = tpu.memref_squeeze %dma_start3A_163 : memref<1x4x100xi32, #tpu.memory_space<vmem>> -> memref<4x100xi32, #tpu.memory_space<vmem>>
      %dma_start3A_165 = arith.constant 0 : i32
      %dma_start3A_166 = arith.constant 0 : i32
      %dma_start3A_167 = tpu.memref_slice %arg2[%add3A_4, %dma_start3A_165, %dma_start3A_166] : memref<2048x4x100xi32, #tpu.memory_space<hbm>> -> memref<1x4x100xi32, #tpu.memory_space<hbm>>
      %dma_start3A_168 = tpu.memref_squeeze %dma_start3A_167 : memref<1x4x100xi32, #tpu.memory_space<hbm>> -> memref<4x100xi32, #tpu.memory_space<hbm>>
      tpu.enqueue_dma source(%dma_start3A_168 : memref<4x100xi32, #tpu.memory_space<hbm>>) target(%dma_start3A_164 : memref<4x100xi32, #tpu.memory_space<vmem>>) target_semaphore(%run_scoped3A_152 : memref<!tpu.dma_semaphore, #tpu.memory_space<semaphore_mem>>)
      %dma_wait3A_169 = arith.constant 0 : i32
      %dma_wait3A_170 = arith.constant 0 : i32
      %dma_wait3A_171 = tpu.memref_slice %arg6[%run_scoped3A, %dma_wait3A_169, %dma_wait3A_170] : memref<2x4x100xi32, #tpu.memory_space<vmem>> -> memref<1x4x100xi32, #tpu.memory_space<vmem>>
      %dma_wait3A_172 = tpu.memref_squeeze %dma_wait3A_171 : memref<1x4x100xi32, #tpu.memory_space<vmem>> -> memref<4x100xi32, #tpu.memory_space<vmem>>
      %dma_wait3A_173 = arith.constant 0 : i32
      %dma_wait3A_174 = arith.constant 0 : i32
      %dma_wait3A_175 = tpu.memref_slice %arg2[%add3A_4, %dma_wait3A_173, %dma_wait3A_174] : memref<2048x4x100xi32, #tpu.memory_space<hbm>> -> memref<1x4x100xi32, #tpu.memory_space<hbm>>
      %dma_wait3A_176 = tpu.memref_squeeze %dma_wait3A_175 : memref<1x4x100xi32, #tpu.memory_space<hbm>> -> memref<4x100xi32, #tpu.memory_space<hbm>>
      %dma_wait3A_177 = arith.constant 0 : i32
      %dma_wait3A_178 = arith.constant 0 : i32
      %dma_wait3A_179 = tpu.memref_slice %arg6[%run_scoped3A, %dma_wait3A_177, %dma_wait3A_178] : memref<2x4x100xi32, #tpu.memory_space<vmem>> -> memref<1x4x100xi32, #tpu.memory_space<vmem>>
      %dma_wait3A_180 = tpu.memref_squeeze %dma_wait3A_179 : memref<1x4x100xi32, #tpu.memory_space<vmem>> -> memref<4x100xi32, #tpu.memory_space<vmem>>
      %dma_wait3A_181 = arith.constant 0 : i32
      %dma_wait3A_182 = arith.constant 0 : i32
      %dma_wait3A_183 = tpu.memref_slice %arg2[%add3A_4, %dma_wait3A_181, %dma_wait3A_182] : memref<2048x4x100xi32, #tpu.memory_space<hbm>> -> memref<1x4x100xi32, #tpu.memory_space<hbm>>
      %dma_wait3A_184 = tpu.memref_squeeze %dma_wait3A_183 : memref<1x4x100xi32, #tpu.memory_space<hbm>> -> memref<4x100xi32, #tpu.memory_space<hbm>>
      tpu.wait_dma2 semaphore(%run_scoped3A_152 : memref<!tpu.dma_semaphore, #tpu.memory_space<semaphore_mem>>) src(%dma_wait3A_184 : memref<4x100xi32, #tpu.memory_space<hbm>>) dst(%dma_wait3A_180 : memref<4x100xi32, #tpu.memory_space<vmem>>)
      tpu.yield
    }) : () -> ()
    %dma_start3A = arith.constant 0 : i32
    %dma_start3A_5 = arith.constant 0 : i32
    %dma_start3A_6 = arith.constant 0 : i32
    %dma_start3A_7 = arith.constant 0 : i32
    %dma_start3A_8 = arith.constant 0 : i32
    %dma_start3A_9 = tpu.memref_slice %arg7[%dma_start3A_6, %dma_start3A_7, %dma_start3A_8] : memref<2x400x64xf32, #tpu.memory_space<vmem>> -> memref<1x100x64xf32, #tpu.memory_space<vmem>>
    %dma_start3A_10 = tpu.memref_squeeze %dma_start3A_9 : memref<1x100x64xf32, #tpu.memory_space<vmem>> -> memref<100x64xf32, #tpu.memory_space<vmem>>
    %dma_start3A_11 = arith.constant 0 : i32
    %dma_start3A_12 = tpu.memref_slice %arg6[%dma_start3A, %dma_start3A_5, %dma_start3A_11] : memref<2x4x100xi32, #tpu.memory_space<vmem>> -> memref<1x1x100xi32, #tpu.memory_space<vmem>>
    %dma_start3A_13 = tpu.memref_squeeze %dma_start3A_12 : memref<1x1x100xi32, #tpu.memory_space<vmem>> -> memref<100xi32, #tpu.memory_space<vmem>>
    %dma_start3A_14 = arith.constant 0 : i32
    %dma_start3A_15 = arith.constant 0 : i32
    %dma_start3A_16 = tpu.memref_slice %arg3[%dma_start3A_14, %dma_start3A_15] : memref<1000000x64xf32, #tpu.memory_space<hbm>> -> memref<1000000x64xf32, #tpu.memory_space<hbm>>
    tpu.enqueue_indirect_dma source(%dma_start3A_16 : memref<1000000x64xf32, #tpu.memory_space<hbm>>) target(%dma_start3A_10 : memref<100x64xf32, #tpu.memory_space<vmem>>) offsets(%dma_start3A_13 : memref<100xi32, #tpu.memory_space<vmem>>) semaphore(%arg9 : memref<!tpu.dma_semaphore, #tpu.memory_space<semaphore_mem>>)
    %dma_start3A_17 = arith.constant 0 : i32
    %dma_start3A_18 = arith.constant 1 : i32
    %dma_start3A_19 = arith.constant 0 : i32
    %dma_start3A_20 = arith.constant 100 : i32
    %dma_start3A_21 = arith.constant 0 : i32
    %dma_start3A_22 = tpu.memref_slice %arg7[%dma_start3A_19, %dma_start3A_20, %dma_start3A_21] : memref<2x400x64xf32, #tpu.memory_space<vmem>> -> memref<1x100x64xf32, #tpu.memory_space<vmem>>
    %dma_start3A_23 = tpu.memref_squeeze %dma_start3A_22 : memref<1x100x64xf32, #tpu.memory_space<vmem>> -> memref<100x64xf32, #tpu.memory_space<vmem>>
    %dma_start3A_24 = arith.constant 0 : i32
    %dma_start3A_25 = tpu.memref_slice %arg6[%dma_start3A_17, %dma_start3A_18, %dma_start3A_24] : memref<2x4x100xi32, #tpu.memory_space<vmem>> -> memref<1x1x100xi32, #tpu.memory_space<vmem>>
    %dma_start3A_26 = tpu.memref_squeeze %dma_start3A_25 : memref<1x1x100xi32, #tpu.memory_space<vmem>> -> memref<100xi32, #tpu.memory_space<vmem>>
    %dma_start3A_27 = arith.constant 0 : i32
    %dma_start3A_28 = arith.constant 0 : i32
    %dma_start3A_29 = tpu.memref_slice %arg3[%dma_start3A_27, %dma_start3A_28] : memref<1000000x64xf32, #tpu.memory_space<hbm>> -> memref<1000000x64xf32, #tpu.memory_space<hbm>>
    tpu.enqueue_indirect_dma source(%dma_start3A_29 : memref<1000000x64xf32, #tpu.memory_space<hbm>>) target(%dma_start3A_23 : memref<100x64xf32, #tpu.memory_space<vmem>>) offsets(%dma_start3A_26 : memref<100xi32, #tpu.memory_space<vmem>>) semaphore(%arg9 : memref<!tpu.dma_semaphore, #tpu.memory_space<semaphore_mem>>)
    %dma_start3A_30 = arith.constant 0 : i32
    %dma_start3A_31 = arith.constant 2 : i32
    %dma_start3A_32 = arith.constant 0 : i32
    %dma_start3A_33 = arith.constant 200 : i32
    %dma_start3A_34 = arith.constant 0 : i32
    %dma_start3A_35 = tpu.memref_slice %arg7[%dma_start3A_32, %dma_start3A_33, %dma_start3A_34] : memref<2x400x64xf32, #tpu.memory_space<vmem>> -> memref<1x100x64xf32, #tpu.memory_space<vmem>>
    %dma_start3A_36 = tpu.memref_squeeze %dma_start3A_35 : memref<1x100x64xf32, #tpu.memory_space<vmem>> -> memref<100x64xf32, #tpu.memory_space<vmem>>
    %dma_start3A_37 = arith.constant 0 : i32
    %dma_start3A_38 = tpu.memref_slice %arg6[%dma_start3A_30, %dma_start3A_31, %dma_start3A_37] : memref<2x4x100xi32, #tpu.memory_space<vmem>> -> memref<1x1x100xi32, #tpu.memory_space<vmem>>
    %dma_start3A_39 = tpu.memref_squeeze %dma_start3A_38 : memref<1x1x100xi32, #tpu.memory_space<vmem>> -> memref<100xi32, #tpu.memory_space<vmem>>
    %dma_start3A_40 = arith.constant 0 : i32
    %dma_start3A_41 = arith.constant 0 : i32
    %dma_start3A_42 = tpu.memref_slice %arg3[%dma_start3A_40, %dma_start3A_41] : memref<1000000x64xf32, #tpu.memory_space<hbm>> -> memref<1000000x64xf32, #tpu.memory_space<hbm>>
    tpu.enqueue_indirect_dma source(%dma_start3A_42 : memref<1000000x64xf32, #tpu.memory_space<hbm>>) target(%dma_start3A_36 : memref<100x64xf32, #tpu.memory_space<vmem>>) offsets(%dma_start3A_39 : memref<100xi32, #tpu.memory_space<vmem>>) semaphore(%arg9 : memref<!tpu.dma_semaphore, #tpu.memory_space<semaphore_mem>>)
    %dma_start3A_43 = arith.constant 0 : i32
    %dma_start3A_44 = arith.constant 3 : i32
    %dma_start3A_45 = arith.constant 0 : i32
    %dma_start3A_46 = arith.constant 300 : i32
    %dma_start3A_47 = arith.constant 0 : i32
    %dma_start3A_48 = tpu.memref_slice %arg7[%dma_start3A_45, %dma_start3A_46, %dma_start3A_47] : memref<2x400x64xf32, #tpu.memory_space<vmem>> -> memref<1x100x64xf32, #tpu.memory_space<vmem>>
    %dma_start3A_49 = tpu.memref_squeeze %dma_start3A_48 : memref<1x100x64xf32, #tpu.memory_space<vmem>> -> memref<100x64xf32, #tpu.memory_space<vmem>>
    %dma_start3A_50 = arith.constant 0 : i32
    %dma_start3A_51 = tpu.memref_slice %arg6[%dma_start3A_43, %dma_start3A_44, %dma_start3A_50] : memref<2x4x100xi32, #tpu.memory_space<vmem>> -> memref<1x1x100xi32, #tpu.memory_space<vmem>>
    %dma_start3A_52 = tpu.memref_squeeze %dma_start3A_51 : memref<1x1x100xi32, #tpu.memory_space<vmem>> -> memref<100xi32, #tpu.memory_space<vmem>>
    %dma_start3A_53 = arith.constant 0 : i32
    %dma_start3A_54 = arith.constant 0 : i32
    %dma_start3A_55 = tpu.memref_slice %arg3[%dma_start3A_53, %dma_start3A_54] : memref<1000000x64xf32, #tpu.memory_space<hbm>> -> memref<1000000x64xf32, #tpu.memory_space<hbm>>
    tpu.enqueue_indirect_dma source(%dma_start3A_55 : memref<1000000x64xf32, #tpu.memory_space<hbm>>) target(%dma_start3A_49 : memref<100x64xf32, #tpu.memory_space<vmem>>) offsets(%dma_start3A_52 : memref<100xi32, #tpu.memory_space<vmem>>) semaphore(%arg9 : memref<!tpu.dma_semaphore, #tpu.memory_space<semaphore_mem>>)
    %scan3A = arith.constant 0 : i32
    %scan3A_56 = arith.constant 0 : i32
    %scan3A_57 = arith.constant 32 : i32
    %scan3A_58 = arith.addi %scan3A_56, %scan3A_57 : i32
    %scan3A_59 = arith.constant 1 : i32
    scf.for %scan3A_152 = %scan3A_56 to %scan3A_58 step %scan3A_59  : i32 {
      %mul3A_153 = arith.constant 2 : i32
      %mul3A_154 = arith.muli %mul3A_153, %scan3A_152 : i32
      %add3A_155 = arith.constant 0 : i32
      %add3A_156 = arith.addi %mul3A_154, %add3A_155 : i32
      %add3A_157 = arith.constant 1 : i32
      %add3A_158 = arith.addi %add3A_156, %add3A_157 : i32
      %lt3A = arith.constant 64 : i32
      %lt3A_159 = arith.cmpi slt, %add3A_158, %lt3A : i32
      %ge3A = arith.constant 1 : i32
      %ge3A_160 = arith.cmpi sge, %add3A_156, %ge3A : i32
      %and3A = arith.andi %lt3A_159, %ge3A_160 : i1
      %convert_element_type3A = arith.extui %and3A : i1 to i32
      %cond3A = arith.constant 0 : i32
      %cond3A_161 = arith.cmpi ne, %convert_element_type3A, %cond3A : i32
      scf.if %cond3A_161 {
        %sub3A = arith.constant 1 : i32
        %sub3A_394 = arith.subi %add3A_156, %sub3A : i32
        %add3A_395 = arith.addi %mul3A_2, %sub3A_394 : i32
        %mul3A_396 = arith.constant 2 : i32
        %mul3A_397 = arith.muli %mul3A_396, %add3A_395 : i32
        %add3A_398 = arith.constant 0 : i32
        %add3A_399 = arith.addi %mul3A_397, %add3A_398 : i32
        %dma_wait3A_400 = arith.constant 1 : i32
        %dma_wait3A_401 = arith.constant 0 : i32
        %dma_wait3A_402 = arith.constant 0 : i32
        %dma_wait3A_403 = tpu.memref_slice %arg7[%dma_wait3A_400, %dma_wait3A_401, %dma_wait3A_402] : memref<2x400x64xf32, #tpu.memory_space<vmem>> -> memref<1x200x64xf32, #tpu.memory_space<vmem>>
        %dma_wait3A_404 = tpu.memref_squeeze %dma_wait3A_403 : memref<1x200x64xf32, #tpu.memory_space<vmem>> -> memref<200x64xf32, #tpu.memory_space<vmem>>
        %dma_wait3A_405 = arith.constant 0 : i32
        %dma_wait3A_406 = arith.constant 0 : i32
        %dma_wait3A_407 = tpu.memref_slice %arg5[%add3A_399, %dma_wait3A_405, %dma_wait3A_406] : memref<4096x200x64xf32, #tpu.memory_space<hbm>> -> memref<1x200x64xf32, #tpu.memory_space<hbm>>
        %dma_wait3A_408 = tpu.memref_squeeze %dma_wait3A_407 : memref<1x200x64xf32, #tpu.memory_space<hbm>> -> memref<200x64xf32, #tpu.memory_space<hbm>>
        %dma_wait3A_409 = arith.constant 0 : i32
        %dma_wait3A_410 = arith.constant 0 : i32
        %dma_wait3A_411 = tpu.memref_slice %arg5[%add3A_399, %dma_wait3A_409, %dma_wait3A_410] : memref<4096x200x64xf32, #tpu.memory_space<hbm>> -> memref<1x200x64xf32, #tpu.memory_space<hbm>>
        %dma_wait3A_412 = tpu.memref_squeeze %dma_wait3A_411 : memref<1x200x64xf32, #tpu.memory_space<hbm>> -> memref<200x64xf32, #tpu.memory_space<hbm>>
        %dma_wait3A_413 = arith.constant 0 : i32
        %dma_wait3A_414 = arith.constant 0 : i32
        %dma_wait3A_415 = tpu.memref_slice %arg7[%dma_wait3A_400, %dma_wait3A_413, %dma_wait3A_414] : memref<2x400x64xf32, #tpu.memory_space<vmem>> -> memref<1x200x64xf32, #tpu.memory_space<vmem>>
        %dma_wait3A_416 = tpu.memref_squeeze %dma_wait3A_415 : memref<1x200x64xf32, #tpu.memory_space<vmem>> -> memref<200x64xf32, #tpu.memory_space<vmem>>
        tpu.wait_dma2 semaphore(%arg12 : memref<!tpu.dma_semaphore, #tpu.memory_space<semaphore_mem>>) src(%dma_wait3A_416 : memref<200x64xf32, #tpu.memory_space<vmem>>) dst(%dma_wait3A_412 : memref<200x64xf32, #tpu.memory_space<hbm>>)
        %add3A_417 = arith.addi %mul3A_2, %sub3A_394 : i32
        %mul3A_418 = arith.constant 2 : i32
        %mul3A_419 = arith.muli %mul3A_418, %add3A_417 : i32
        %add3A_420 = arith.constant 1 : i32
        %add3A_421 = arith.addi %mul3A_419, %add3A_420 : i32
        %dma_wait3A_422 = arith.constant 1 : i32
        %dma_wait3A_423 = arith.constant 200 : i32
        %dma_wait3A_424 = arith.constant 0 : i32
        %dma_wait3A_425 = tpu.memref_slice %arg7[%dma_wait3A_422, %dma_wait3A_423, %dma_wait3A_424] : memref<2x400x64xf32, #tpu.memory_space<vmem>> -> memref<1x200x64xf32, #tpu.memory_space<vmem>>
        %dma_wait3A_426 = tpu.memref_squeeze %dma_wait3A_425 : memref<1x200x64xf32, #tpu.memory_space<vmem>> -> memref<200x64xf32, #tpu.memory_space<vmem>>
        %dma_wait3A_427 = arith.constant 0 : i32
        %dma_wait3A_428 = arith.constant 0 : i32
        %dma_wait3A_429 = tpu.memref_slice %arg5[%add3A_421, %dma_wait3A_427, %dma_wait3A_428] : memref<4096x200x64xf32, #tpu.memory_space<hbm>> -> memref<1x200x64xf32, #tpu.memory_space<hbm>>
        %dma_wait3A_430 = tpu.memref_squeeze %dma_wait3A_429 : memref<1x200x64xf32, #tpu.memory_space<hbm>> -> memref<200x64xf32, #tpu.memory_space<hbm>>
        %dma_wait3A_431 = arith.constant 0 : i32
        %dma_wait3A_432 = arith.constant 0 : i32
        %dma_wait3A_433 = tpu.memref_slice %arg5[%add3A_421, %dma_wait3A_431, %dma_wait3A_432] : memref<4096x200x64xf32, #tpu.memory_space<hbm>> -> memref<1x200x64xf32, #tpu.memory_space<hbm>>
        %dma_wait3A_434 = tpu.memref_squeeze %dma_wait3A_433 : memref<1x200x64xf32, #tpu.memory_space<hbm>> -> memref<200x64xf32, #tpu.memory_space<hbm>>
        %dma_wait3A_435 = arith.constant 200 : i32
        %dma_wait3A_436 = arith.constant 0 : i32
        %dma_wait3A_437 = tpu.memref_slice %arg7[%dma_wait3A_422, %dma_wait3A_435, %dma_wait3A_436] : memref<2x400x64xf32, #tpu.memory_space<vmem>> -> memref<1x200x64xf32, #tpu.memory_space<vmem>>
        %dma_wait3A_438 = tpu.memref_squeeze %dma_wait3A_437 : memref<1x200x64xf32, #tpu.memory_space<vmem>> -> memref<200x64xf32, #tpu.memory_space<vmem>>
        tpu.wait_dma2 semaphore(%arg12 : memref<!tpu.dma_semaphore, #tpu.memory_space<semaphore_mem>>) src(%dma_wait3A_438 : memref<200x64xf32, #tpu.memory_space<vmem>>) dst(%dma_wait3A_434 : memref<200x64xf32, #tpu.memory_space<hbm>>)
      } else {
      }
      %add3A_162 = arith.constant 1 : i32
      %add3A_163 = arith.addi %add3A_156, %add3A_162 : i32
      %lt3A_164 = arith.constant 64 : i32
      %lt3A_165 = arith.cmpi slt, %add3A_163, %lt3A_164 : i32
      %convert_element_type3A_166 = arith.extui %lt3A_165 : i1 to i32
      %cond3A_167 = arith.constant 0 : i32
      %cond3A_168 = arith.cmpi ne, %convert_element_type3A_166, %cond3A_167 : i32
      scf.if %cond3A_168 {
        %add3A_394 = arith.constant 1 : i32
        %add3A_395 = arith.addi %add3A_156, %add3A_394 : i32
        %add3A_396 = arith.addi %mul3A_2, %add3A_395 : i32
        %run_scoped3A_397 = arith.constant 1 : i32
        "tpu.region"() ({
          %run_scoped3A_450 = tpu.sem_alloc : memref<!tpu.dma_semaphore, #tpu.memory_space<semaphore_mem>>
          %dma_start3A_451 = arith.constant 0 : i32
          %dma_start3A_452 = arith.constant 0 : i32
          %dma_start3A_453 = tpu.memref_slice %arg6[%run_scoped3A_397, %dma_start3A_451, %dma_start3A_452] : memref<2x4x100xi32, #tpu.memory_space<vmem>> -> memref<1x4x100xi32, #tpu.memory_space<vmem>>
          %dma_start3A_454 = tpu.memref_squeeze %dma_start3A_453 : memref<1x4x100xi32, #tpu.memory_space<vmem>> -> memref<4x100xi32, #tpu.memory_space<vmem>>
          %dma_start3A_455 = arith.constant 0 : i32
          %dma_start3A_456 = arith.constant 0 : i32
          %dma_start3A_457 = tpu.memref_slice %arg2[%add3A_396, %dma_start3A_455, %dma_start3A_456] : memref<2048x4x100xi32, #tpu.memory_space<hbm>> -> memref<1x4x100xi32, #tpu.memory_space<hbm>>
          %dma_start3A_458 = tpu.memref_squeeze %dma_start3A_457 : memref<1x4x100xi32, #tpu.memory_space<hbm>> -> memref<4x100xi32, #tpu.memory_space<hbm>>
          %dma_start3A_459 = arith.constant 0 : i32
          %dma_start3A_460 = arith.constant 0 : i32
          %dma_start3A_461 = tpu.memref_slice %arg6[%run_scoped3A_397, %dma_start3A_459, %dma_start3A_460] : memref<2x4x100xi32, #tpu.memory_space<vmem>> -> memref<1x4x100xi32, #tpu.memory_space<vmem>>
          %dma_start3A_462 = tpu.memref_squeeze %dma_start3A_461 : memref<1x4x100xi32, #tpu.memory_space<vmem>> -> memref<4x100xi32, #tpu.memory_space<vmem>>
          %dma_start3A_463 = arith.constant 0 : i32
          %dma_start3A_464 = arith.constant 0 : i32
          %dma_start3A_465 = tpu.memref_slice %arg2[%add3A_396, %dma_start3A_463, %dma_start3A_464] : memref<2048x4x100xi32, #tpu.memory_space<hbm>> -> memref<1x4x100xi32, #tpu.memory_space<hbm>>
          %dma_start3A_466 = tpu.memref_squeeze %dma_start3A_465 : memref<1x4x100xi32, #tpu.memory_space<hbm>> -> memref<4x100xi32, #tpu.memory_space<hbm>>
          tpu.enqueue_dma source(%dma_start3A_466 : memref<4x100xi32, #tpu.memory_space<hbm>>) target(%dma_start3A_462 : memref<4x100xi32, #tpu.memory_space<vmem>>) target_semaphore(%run_scoped3A_450 : memref<!tpu.dma_semaphore, #tpu.memory_space<semaphore_mem>>)
          %dma_wait3A_467 = arith.constant 0 : i32
          %dma_wait3A_468 = arith.constant 0 : i32
          %dma_wait3A_469 = tpu.memref_slice %arg6[%run_scoped3A_397, %dma_wait3A_467, %dma_wait3A_468] : memref<2x4x100xi32, #tpu.memory_space<vmem>> -> memref<1x4x100xi32, #tpu.memory_space<vmem>>
          %dma_wait3A_470 = tpu.memref_squeeze %dma_wait3A_469 : memref<1x4x100xi32, #tpu.memory_space<vmem>> -> memref<4x100xi32, #tpu.memory_space<vmem>>
          %dma_wait3A_471 = arith.constant 0 : i32
          %dma_wait3A_472 = arith.constant 0 : i32
          %dma_wait3A_473 = tpu.memref_slice %arg2[%add3A_396, %dma_wait3A_471, %dma_wait3A_472] : memref<2048x4x100xi32, #tpu.memory_space<hbm>> -> memref<1x4x100xi32, #tpu.memory_space<hbm>>
          %dma_wait3A_474 = tpu.memref_squeeze %dma_wait3A_473 : memref<1x4x100xi32, #tpu.memory_space<hbm>> -> memref<4x100xi32, #tpu.memory_space<hbm>>
          %dma_wait3A_475 = arith.constant 0 : i32
          %dma_wait3A_476 = arith.constant 0 : i32
          %dma_wait3A_477 = tpu.memref_slice %arg6[%run_scoped3A_397, %dma_wait3A_475, %dma_wait3A_476] : memref<2x4x100xi32, #tpu.memory_space<vmem>> -> memref<1x4x100xi32, #tpu.memory_space<vmem>>
          %dma_wait3A_478 = tpu.memref_squeeze %dma_wait3A_477 : memref<1x4x100xi32, #tpu.memory_space<vmem>> -> memref<4x100xi32, #tpu.memory_space<vmem>>
          %dma_wait3A_479 = arith.constant 0 : i32
          %dma_wait3A_480 = arith.constant 0 : i32
          %dma_wait3A_481 = tpu.memref_slice %arg2[%add3A_396, %dma_wait3A_479, %dma_wait3A_480] : memref<2048x4x100xi32, #tpu.memory_space<hbm>> -> memref<1x4x100xi32, #tpu.memory_space<hbm>>
          %dma_wait3A_482 = tpu.memref_squeeze %dma_wait3A_481 : memref<1x4x100xi32, #tpu.memory_space<hbm>> -> memref<4x100xi32, #tpu.memory_space<hbm>>
          tpu.wait_dma2 semaphore(%run_scoped3A_450 : memref<!tpu.dma_semaphore, #tpu.memory_space<semaphore_mem>>) src(%dma_wait3A_482 : memref<4x100xi32, #tpu.memory_space<hbm>>) dst(%dma_wait3A_478 : memref<4x100xi32, #tpu.memory_space<vmem>>)
          tpu.yield
        }) : () -> ()
        %dma_start3A_398 = arith.constant 1 : i32
        %dma_start3A_399 = arith.constant 0 : i32
        %dma_start3A_400 = arith.constant 1 : i32
        %dma_start3A_401 = arith.constant 0 : i32
        %dma_start3A_402 = arith.constant 0 : i32
        %dma_start3A_403 = tpu.memref_slice %arg7[%dma_start3A_400, %dma_start3A_401, %dma_start3A_402] : memref<2x400x64xf32, #tpu.memory_space<vmem>> -> memref<1x100x64xf32, #tpu.memory_space<vmem>>
        %dma_start3A_404 = tpu.memref_squeeze %dma_start3A_403 : memref<1x100x64xf32, #tpu.memory_space<vmem>> -> memref<100x64xf32, #tpu.memory_space<vmem>>
        %dma_start3A_405 = arith.constant 0 : i32
        %dma_start3A_406 = tpu.memref_slice %arg6[%dma_start3A_398, %dma_start3A_399, %dma_start3A_405] : memref<2x4x100xi32, #tpu.memory_space<vmem>> -> memref<1x1x100xi32, #tpu.memory_space<vmem>>
        %dma_start3A_407 = tpu.memref_squeeze %dma_start3A_406 : memref<1x1x100xi32, #tpu.memory_space<vmem>> -> memref<100xi32, #tpu.memory_space<vmem>>
        %dma_start3A_408 = arith.constant 0 : i32
        %dma_start3A_409 = arith.constant 0 : i32
        %dma_start3A_410 = tpu.memref_slice %arg3[%dma_start3A_408, %dma_start3A_409] : memref<1000000x64xf32, #tpu.memory_space<hbm>> -> memref<1000000x64xf32, #tpu.memory_space<hbm>>
        tpu.enqueue_indirect_dma source(%dma_start3A_410 : memref<1000000x64xf32, #tpu.memory_space<hbm>>) target(%dma_start3A_404 : memref<100x64xf32, #tpu.memory_space<vmem>>) offsets(%dma_start3A_407 : memref<100xi32, #tpu.memory_space<vmem>>) semaphore(%arg10 : memref<!tpu.dma_semaphore, #tpu.memory_space<semaphore_mem>>)
        %dma_start3A_411 = arith.constant 1 : i32
        %dma_start3A_412 = arith.constant 1 : i32
        %dma_start3A_413 = arith.constant 1 : i32
        %dma_start3A_414 = arith.constant 100 : i32
        %dma_start3A_415 = arith.constant 0 : i32
        %dma_start3A_416 = tpu.memref_slice %arg7[%dma_start3A_413, %dma_start3A_414, %dma_start3A_415] : memref<2x400x64xf32, #tpu.memory_space<vmem>> -> memref<1x100x64xf32, #tpu.memory_space<vmem>>
        %dma_start3A_417 = tpu.memref_squeeze %dma_start3A_416 : memref<1x100x64xf32, #tpu.memory_space<vmem>> -> memref<100x64xf32, #tpu.memory_space<vmem>>
        %dma_start3A_418 = arith.constant 0 : i32
        %dma_start3A_419 = tpu.memref_slice %arg6[%dma_start3A_411, %dma_start3A_412, %dma_start3A_418] : memref<2x4x100xi32, #tpu.memory_space<vmem>> -> memref<1x1x100xi32, #tpu.memory_space<vmem>>
        %dma_start3A_420 = tpu.memref_squeeze %dma_start3A_419 : memref<1x1x100xi32, #tpu.memory_space<vmem>> -> memref<100xi32, #tpu.memory_space<vmem>>
        %dma_start3A_421 = arith.constant 0 : i32
        %dma_start3A_422 = arith.constant 0 : i32
        %dma_start3A_423 = tpu.memref_slice %arg3[%dma_start3A_421, %dma_start3A_422] : memref<1000000x64xf32, #tpu.memory_space<hbm>> -> memref<1000000x64xf32, #tpu.memory_space<hbm>>
        tpu.enqueue_indirect_dma source(%dma_start3A_423 : memref<1000000x64xf32, #tpu.memory_space<hbm>>) target(%dma_start3A_417 : memref<100x64xf32, #tpu.memory_space<vmem>>) offsets(%dma_start3A_420 : memref<100xi32, #tpu.memory_space<vmem>>) semaphore(%arg10 : memref<!tpu.dma_semaphore, #tpu.memory_space<semaphore_mem>>)
        %dma_start3A_424 = arith.constant 1 : i32
        %dma_start3A_425 = arith.constant 2 : i32
        %dma_start3A_426 = arith.constant 1 : i32
        %dma_start3A_427 = arith.constant 200 : i32
        %dma_start3A_428 = arith.constant 0 : i32
        %dma_start3A_429 = tpu.memref_slice %arg7[%dma_start3A_426, %dma_start3A_427, %dma_start3A_428] : memref<2x400x64xf32, #tpu.memory_space<vmem>> -> memref<1x100x64xf32, #tpu.memory_space<vmem>>
        %dma_start3A_430 = tpu.memref_squeeze %dma_start3A_429 : memref<1x100x64xf32, #tpu.memory_space<vmem>> -> memref<100x64xf32, #tpu.memory_space<vmem>>
        %dma_start3A_431 = arith.constant 0 : i32
        %dma_start3A_432 = tpu.memref_slice %arg6[%dma_start3A_424, %dma_start3A_425, %dma_start3A_431] : memref<2x4x100xi32, #tpu.memory_space<vmem>> -> memref<1x1x100xi32, #tpu.memory_space<vmem>>
        %dma_start3A_433 = tpu.memref_squeeze %dma_start3A_432 : memref<1x1x100xi32, #tpu.memory_space<vmem>> -> memref<100xi32, #tpu.memory_space<vmem>>
        %dma_start3A_434 = arith.constant 0 : i32
        %dma_start3A_435 = arith.constant 0 : i32
        %dma_start3A_436 = tpu.memref_slice %arg3[%dma_start3A_434, %dma_start3A_435] : memref<1000000x64xf32, #tpu.memory_space<hbm>> -> memref<1000000x64xf32, #tpu.memory_space<hbm>>
        tpu.enqueue_indirect_dma source(%dma_start3A_436 : memref<1000000x64xf32, #tpu.memory_space<hbm>>) target(%dma_start3A_430 : memref<100x64xf32, #tpu.memory_space<vmem>>) offsets(%dma_start3A_433 : memref<100xi32, #tpu.memory_space<vmem>>) semaphore(%arg10 : memref<!tpu.dma_semaphore, #tpu.memory_space<semaphore_mem>>)
        %dma_start3A_437 = arith.constant 1 : i32
        %dma_start3A_438 = arith.constant 3 : i32
        %dma_start3A_439 = arith.constant 1 : i32
        %dma_start3A_440 = arith.constant 300 : i32
        %dma_start3A_441 = arith.constant 0 : i32
        %dma_start3A_442 = tpu.memref_slice %arg7[%dma_start3A_439, %dma_start3A_440, %dma_start3A_441] : memref<2x400x64xf32, #tpu.memory_space<vmem>> -> memref<1x100x64xf32, #tpu.memory_space<vmem>>
        %dma_start3A_443 = tpu.memref_squeeze %dma_start3A_442 : memref<1x100x64xf32, #tpu.memory_space<vmem>> -> memref<100x64xf32, #tpu.memory_space<vmem>>
        %dma_start3A_444 = arith.constant 0 : i32
        %dma_start3A_445 = tpu.memref_slice %arg6[%dma_start3A_437, %dma_start3A_438, %dma_start3A_444] : memref<2x4x100xi32, #tpu.memory_space<vmem>> -> memref<1x1x100xi32, #tpu.memory_space<vmem>>
        %dma_start3A_446 = tpu.memref_squeeze %dma_start3A_445 : memref<1x1x100xi32, #tpu.memory_space<vmem>> -> memref<100xi32, #tpu.memory_space<vmem>>
        %dma_start3A_447 = arith.constant 0 : i32
        %dma_start3A_448 = arith.constant 0 : i32
        %dma_start3A_449 = tpu.memref_slice %arg3[%dma_start3A_447, %dma_start3A_448] : memref<1000000x64xf32, #tpu.memory_space<hbm>> -> memref<1000000x64xf32, #tpu.memory_space<hbm>>
        tpu.enqueue_indirect_dma source(%dma_start3A_449 : memref<1000000x64xf32, #tpu.memory_space<hbm>>) target(%dma_start3A_443 : memref<100x64xf32, #tpu.memory_space<vmem>>) offsets(%dma_start3A_446 : memref<100xi32, #tpu.memory_space<vmem>>) semaphore(%arg10 : memref<!tpu.dma_semaphore, #tpu.memory_space<semaphore_mem>>)
      } else {
      }
      %dma_wait3A_169 = arith.constant 0 : i32
      %dma_wait3A_170 = arith.constant 0 : i32
      %dma_wait3A_171 = arith.constant 0 : i32
      %dma_wait3A_172 = arith.constant 0 : i32
      %dma_wait3A_173 = arith.constant 0 : i32
      %dma_wait3A_174 = tpu.memref_slice %arg7[%dma_wait3A_171, %dma_wait3A_172, %dma_wait3A_173] : memref<2x400x64xf32, #tpu.memory_space<vmem>> -> memref<1x100x64xf32, #tpu.memory_space<vmem>>
      %dma_wait3A_175 = tpu.memref_squeeze %dma_wait3A_174 : memref<1x100x64xf32, #tpu.memory_space<vmem>> -> memref<100x64xf32, #tpu.memory_space<vmem>>
      %dma_wait3A_176 = arith.constant 0 : i32
      %dma_wait3A_177 = tpu.memref_slice %arg6[%dma_wait3A_169, %dma_wait3A_170, %dma_wait3A_176] : memref<2x4x100xi32, #tpu.memory_space<vmem>> -> memref<1x1x100xi32, #tpu.memory_space<vmem>>
      %dma_wait3A_178 = tpu.memref_squeeze %dma_wait3A_177 : memref<1x1x100xi32, #tpu.memory_space<vmem>> -> memref<100xi32, #tpu.memory_space<vmem>>
      %dma_wait3A_179 = arith.constant 0 : i32
      %dma_wait3A_180 = arith.constant 0 : i32
      %dma_wait3A_181 = tpu.memref_slice %arg3[%dma_wait3A_179, %dma_wait3A_180] : memref<1000000x64xf32, #tpu.memory_space<hbm>> -> memref<1000000x64xf32, #tpu.memory_space<hbm>>
      tpu.wait_indirect_dma semaphore(%arg9 : memref<!tpu.dma_semaphore, #tpu.memory_space<semaphore_mem>>) src(%dma_wait3A_181 : memref<1000000x64xf32, #tpu.memory_space<hbm>>) dst(%dma_wait3A_175 : memref<100x64xf32, #tpu.memory_space<vmem>>)
      %dma_wait3A_182 = arith.constant 0 : i32
      %dma_wait3A_183 = arith.constant 0 : i32
      %dma_wait3A_184 = arith.constant 0 : i32
      %dma_wait3A_185 = arith.constant 100 : i32
      %dma_wait3A_186 = arith.constant 0 : i32
      %dma_wait3A_187 = tpu.memref_slice %arg7[%dma_wait3A_184, %dma_wait3A_185, %dma_wait3A_186] : memref<2x400x64xf32, #tpu.memory_space<vmem>> -> memref<1x100x64xf32, #tpu.memory_space<vmem>>
      %dma_wait3A_188 = tpu.memref_squeeze %dma_wait3A_187 : memref<1x100x64xf32, #tpu.memory_space<vmem>> -> memref<100x64xf32, #tpu.memory_space<vmem>>
      %dma_wait3A_189 = arith.constant 0 : i32
      %dma_wait3A_190 = tpu.memref_slice %arg6[%dma_wait3A_182, %dma_wait3A_183, %dma_wait3A_189] : memref<2x4x100xi32, #tpu.memory_space<vmem>> -> memref<1x1x100xi32, #tpu.memory_space<vmem>>
      %dma_wait3A_191 = tpu.memref_squeeze %dma_wait3A_190 : memref<1x1x100xi32, #tpu.memory_space<vmem>> -> memref<100xi32, #tpu.memory_space<vmem>>
      %dma_wait3A_192 = arith.constant 0 : i32
      %dma_wait3A_193 = arith.constant 0 : i32
      %dma_wait3A_194 = tpu.memref_slice %arg3[%dma_wait3A_192, %dma_wait3A_193] : memref<1000000x64xf32, #tpu.memory_space<hbm>> -> memref<1000000x64xf32, #tpu.memory_space<hbm>>
      tpu.wait_indirect_dma semaphore(%arg9 : memref<!tpu.dma_semaphore, #tpu.memory_space<semaphore_mem>>) src(%dma_wait3A_194 : memref<1000000x64xf32, #tpu.memory_space<hbm>>) dst(%dma_wait3A_188 : memref<100x64xf32, #tpu.memory_space<vmem>>)
      %dma_wait3A_195 = arith.constant 0 : i32
      %dma_wait3A_196 = arith.constant 0 : i32
      %dma_wait3A_197 = arith.constant 0 : i32
      %dma_wait3A_198 = arith.constant 200 : i32
      %dma_wait3A_199 = arith.constant 0 : i32
      %dma_wait3A_200 = tpu.memref_slice %arg7[%dma_wait3A_197, %dma_wait3A_198, %dma_wait3A_199] : memref<2x400x64xf32, #tpu.memory_space<vmem>> -> memref<1x100x64xf32, #tpu.memory_space<vmem>>
      %dma_wait3A_201 = tpu.memref_squeeze %dma_wait3A_200 : memref<1x100x64xf32, #tpu.memory_space<vmem>> -> memref<100x64xf32, #tpu.memory_space<vmem>>
      %dma_wait3A_202 = arith.constant 0 : i32
      %dma_wait3A_203 = tpu.memref_slice %arg6[%dma_wait3A_195, %dma_wait3A_196, %dma_wait3A_202] : memref<2x4x100xi32, #tpu.memory_space<vmem>> -> memref<1x1x100xi32, #tpu.memory_space<vmem>>
      %dma_wait3A_204 = tpu.memref_squeeze %dma_wait3A_203 : memref<1x1x100xi32, #tpu.memory_space<vmem>> -> memref<100xi32, #tpu.memory_space<vmem>>
      %dma_wait3A_205 = arith.constant 0 : i32
      %dma_wait3A_206 = arith.constant 0 : i32
      %dma_wait3A_207 = tpu.memref_slice %arg3[%dma_wait3A_205, %dma_wait3A_206] : memref<1000000x64xf32, #tpu.memory_space<hbm>> -> memref<1000000x64xf32, #tpu.memory_space<hbm>>
      tpu.wait_indirect_dma semaphore(%arg9 : memref<!tpu.dma_semaphore, #tpu.memory_space<semaphore_mem>>) src(%dma_wait3A_207 : memref<1000000x64xf32, #tpu.memory_space<hbm>>) dst(%dma_wait3A_201 : memref<100x64xf32, #tpu.memory_space<vmem>>)
      %dma_wait3A_208 = arith.constant 0 : i32
      %dma_wait3A_209 = arith.constant 0 : i32
      %dma_wait3A_210 = arith.constant 0 : i32
      %dma_wait3A_211 = arith.constant 300 : i32
      %dma_wait3A_212 = arith.constant 0 : i32
      %dma_wait3A_213 = tpu.memref_slice %arg7[%dma_wait3A_210, %dma_wait3A_211, %dma_wait3A_212] : memref<2x400x64xf32, #tpu.memory_space<vmem>> -> memref<1x100x64xf32, #tpu.memory_space<vmem>>
      %dma_wait3A_214 = tpu.memref_squeeze %dma_wait3A_213 : memref<1x100x64xf32, #tpu.memory_space<vmem>> -> memref<100x64xf32, #tpu.memory_space<vmem>>
      %dma_wait3A_215 = arith.constant 0 : i32
      %dma_wait3A_216 = tpu.memref_slice %arg6[%dma_wait3A_208, %dma_wait3A_209, %dma_wait3A_215] : memref<2x4x100xi32, #tpu.memory_space<vmem>> -> memref<1x1x100xi32, #tpu.memory_space<vmem>>
      %dma_wait3A_217 = tpu.memref_squeeze %dma_wait3A_216 : memref<1x1x100xi32, #tpu.memory_space<vmem>> -> memref<100xi32, #tpu.memory_space<vmem>>
      %dma_wait3A_218 = arith.constant 0 : i32
      %dma_wait3A_219 = arith.constant 0 : i32
      %dma_wait3A_220 = tpu.memref_slice %arg3[%dma_wait3A_218, %dma_wait3A_219] : memref<1000000x64xf32, #tpu.memory_space<hbm>> -> memref<1000000x64xf32, #tpu.memory_space<hbm>>
      tpu.wait_indirect_dma semaphore(%arg9 : memref<!tpu.dma_semaphore, #tpu.memory_space<semaphore_mem>>) src(%dma_wait3A_220 : memref<1000000x64xf32, #tpu.memory_space<hbm>>) dst(%dma_wait3A_214 : memref<100x64xf32, #tpu.memory_space<vmem>>)
      %scan3A_221 = arith.constant 0 : i32
      %scan3A_222 = arith.constant 0 : i32
      %scan3A_223 = arith.constant 400 : i32
      %scan3A_224 = arith.addi %scan3A_222, %scan3A_223 : i32
      %scan3A_225 = arith.constant 1 : i32
      scf.for %scan3A_394 = %scan3A_222 to %scan3A_224 step %scan3A_225  : i32 {
        %get3A = arith.index_cast %scan3A_394 : i32 to index
        %get3A_395 = arith.constant 0 : index
        %get3A_396 = tpu.vector_load %arg8[%get3A, %get3A_395] {strides = array<i32>} : memref<400x64xf32, #tpu.memory_space<vmem>>, vector<1x16xf32>,
        %get3A_397 = vector.shape_cast %get3A_396 : vector<1x16xf32> to vector<16xf32>
        %swap3A = arith.constant 0 : i32
        %swap3A_398 = arith.index_cast %swap3A : i32 to index
        %swap3A_399 = arith.index_cast %scan3A_394 : i32 to index
        %swap3A_400 = arith.constant 0 : index
        %swap3A_401 = tpu.vector_load %arg7[%swap3A_398, %swap3A_399, %swap3A_400] {strides = array<i32>} : memref<2x400x64xf32, #tpu.memory_space<vmem>>, vector<1x1x16xf32>,
        %swap3A_402 = vector.shape_cast %swap3A_401 : vector<1x1x16xf32> to vector<16xf32>
        %swap3A_403 = vector.shape_cast %get3A_397 : vector<16xf32> to vector<1x1x16xf32>
        tpu.vector_store %arg7[%swap3A_398, %swap3A_399, %swap3A_400], %swap3A_403 {add = true, strides = array<i32>} : memref<2x400x64xf32, #tpu.memory_space<vmem>>, vector<1x1x16xf32>,
        %get3A_404 = arith.index_cast %scan3A_394 : i32 to index
        %get3A_405 = arith.constant 16 : index
        %get3A_406 = tpu.vector_load %arg8[%get3A_404, %get3A_405] {strides = array<i32>} : memref<400x64xf32, #tpu.memory_space<vmem>>, vector<1x16xf32>,
        %get3A_407 = vector.shape_cast %get3A_406 : vector<1x16xf32> to vector<16xf32>
        %swap3A_408 = arith.constant 0 : i32
        %swap3A_409 = arith.index_cast %swap3A_408 : i32 to index
        %swap3A_410 = arith.index_cast %scan3A_394 : i32 to index
        %swap3A_411 = arith.constant 16 : index
        %swap3A_412 = tpu.vector_load %arg7[%swap3A_409, %swap3A_410, %swap3A_411] {strides = array<i32>} : memref<2x400x64xf32, #tpu.memory_space<vmem>>, vector<1x1x16xf32>,
        %swap3A_413 = vector.shape_cast %swap3A_412 : vector<1x1x16xf32> to vector<16xf32>
        %swap3A_414 = vector.shape_cast %get3A_407 : vector<16xf32> to vector<1x1x16xf32>
        tpu.vector_store %arg7[%swap3A_409, %swap3A_410, %swap3A_411], %swap3A_414 {add = true, strides = array<i32>} : memref<2x400x64xf32, #tpu.memory_space<vmem>>, vector<1x1x16xf32>,
        %get3A_415 = arith.index_cast %scan3A_394 : i32 to index
        %get3A_416 = arith.constant 32 : index
        %get3A_417 = tpu.vector_load %arg8[%get3A_415, %get3A_416] {strides = array<i32>} : memref<400x64xf32, #tpu.memory_space<vmem>>, vector<1x16xf32>,
        %get3A_418 = vector.shape_cast %get3A_417 : vector<1x16xf32> to vector<16xf32>
        %swap3A_419 = arith.constant 0 : i32
        %swap3A_420 = arith.index_cast %swap3A_419 : i32 to index
        %swap3A_421 = arith.index_cast %scan3A_394 : i32 to index
        %swap3A_422 = arith.constant 32 : index
        %swap3A_423 = tpu.vector_load %arg7[%swap3A_420, %swap3A_421, %swap3A_422] {strides = array<i32>} : memref<2x400x64xf32, #tpu.memory_space<vmem>>, vector<1x1x16xf32>,
        %swap3A_424 = vector.shape_cast %swap3A_423 : vector<1x1x16xf32> to vector<16xf32>
        %swap3A_425 = vector.shape_cast %get3A_418 : vector<16xf32> to vector<1x1x16xf32>
        tpu.vector_store %arg7[%swap3A_420, %swap3A_421, %swap3A_422], %swap3A_425 {add = true, strides = array<i32>} : memref<2x400x64xf32, #tpu.memory_space<vmem>>, vector<1x1x16xf32>,
        %get3A_426 = arith.index_cast %scan3A_394 : i32 to index
        %get3A_427 = arith.constant 48 : index
        %get3A_428 = tpu.vector_load %arg8[%get3A_426, %get3A_427] {strides = array<i32>} : memref<400x64xf32, #tpu.memory_space<vmem>>, vector<1x16xf32>,
        %get3A_429 = vector.shape_cast %get3A_428 : vector<1x16xf32> to vector<16xf32>
        %swap3A_430 = arith.constant 0 : i32
        %swap3A_431 = arith.index_cast %swap3A_430 : i32 to index
        %swap3A_432 = arith.index_cast %scan3A_394 : i32 to index
        %swap3A_433 = arith.constant 48 : index
        %swap3A_434 = tpu.vector_load %arg7[%swap3A_431, %swap3A_432, %swap3A_433] {strides = array<i32>} : memref<2x400x64xf32, #tpu.memory_space<vmem>>, vector<1x1x16xf32>,
        %swap3A_435 = vector.shape_cast %swap3A_434 : vector<1x1x16xf32> to vector<16xf32>
        %swap3A_436 = vector.shape_cast %get3A_429 : vector<16xf32> to vector<1x1x16xf32>
        tpu.vector_store %arg7[%swap3A_431, %swap3A_432, %swap3A_433], %swap3A_436 {add = true, strides = array<i32>} : memref<2x400x64xf32, #tpu.memory_space<vmem>>, vector<1x1x16xf32>,
      }
      %scan3A_226 = arith.constant 400 : i32
      %add3A_227 = arith.addi %mul3A_2, %add3A_156 : i32
      %mul3A_228 = arith.constant 2 : i32
      %mul3A_229 = arith.muli %mul3A_228, %add3A_227 : i32
      %add3A_230 = arith.constant 0 : i32
      %add3A_231 = arith.addi %mul3A_229, %add3A_230 : i32
      %dma_start3A_232 = arith.constant 0 : i32
      %dma_start3A_233 = arith.constant 0 : i32
      %dma_start3A_234 = arith.constant 0 : i32
      %dma_start3A_235 = tpu.memref_slice %arg7[%dma_start3A_232, %dma_start3A_233, %dma_start3A_234] : memref<2x400x64xf32, #tpu.memory_space<vmem>> -> memref<1x200x64xf32, #tpu.memory_space<vmem>>
      %dma_start3A_236 = tpu.memref_squeeze %dma_start3A_235 : memref<1x200x64xf32, #tpu.memory_space<vmem>> -> memref<200x64xf32, #tpu.memory_space<vmem>>
      %dma_start3A_237 = arith.constant 0 : i32
      %dma_start3A_238 = arith.constant 0 : i32
      %dma_start3A_239 = tpu.memref_slice %arg5[%add3A_231, %dma_start3A_237, %dma_start3A_238] : memref<4096x200x64xf32, #tpu.memory_space<hbm>> -> memref<1x200x64xf32, #tpu.memory_space<hbm>>
      %dma_start3A_240 = tpu.memref_squeeze %dma_start3A_239 : memref<1x200x64xf32, #tpu.memory_space<hbm>> -> memref<200x64xf32, #tpu.memory_space<hbm>>
      %dma_start3A_241 = arith.constant 0 : i32
      %dma_start3A_242 = arith.constant 0 : i32
      %dma_start3A_243 = tpu.memref_slice %arg5[%add3A_231, %dma_start3A_241, %dma_start3A_242] : memref<4096x200x64xf32, #tpu.memory_space<hbm>> -> memref<1x200x64xf32, #tpu.memory_space<hbm>>
      %dma_start3A_244 = tpu.memref_squeeze %dma_start3A_243 : memref<1x200x64xf32, #tpu.memory_space<hbm>> -> memref<200x64xf32, #tpu.memory_space<hbm>>
      %dma_start3A_245 = arith.constant 0 : i32
      %dma_start3A_246 = arith.constant 0 : i32
      %dma_start3A_247 = tpu.memref_slice %arg7[%dma_start3A_232, %dma_start3A_245, %dma_start3A_246] : memref<2x400x64xf32, #tpu.memory_space<vmem>> -> memref<1x200x64xf32, #tpu.memory_space<vmem>>
      %dma_start3A_248 = tpu.memref_squeeze %dma_start3A_247 : memref<1x200x64xf32, #tpu.memory_space<vmem>> -> memref<200x64xf32, #tpu.memory_space<vmem>>
      tpu.enqueue_dma source(%dma_start3A_248 : memref<200x64xf32, #tpu.memory_space<vmem>>) target(%dma_start3A_244 : memref<200x64xf32, #tpu.memory_space<hbm>>) target_semaphore(%arg11 : memref<!tpu.dma_semaphore, #tpu.memory_space<semaphore_mem>>)
      %add3A_249 = arith.addi %mul3A_2, %add3A_156 : i32
      %mul3A_250 = arith.constant 2 : i32
      %mul3A_251 = arith.muli %mul3A_250, %add3A_249 : i32
      %add3A_252 = arith.constant 1 : i32
      %add3A_253 = arith.addi %mul3A_251, %add3A_252 : i32
      %dma_start3A_254 = arith.constant 0 : i32
      %dma_start3A_255 = arith.constant 200 : i32
      %dma_start3A_256 = arith.constant 0 : i32
      %dma_start3A_257 = tpu.memref_slice %arg7[%dma_start3A_254, %dma_start3A_255, %dma_start3A_256] : memref<2x400x64xf32, #tpu.memory_space<vmem>> -> memref<1x200x64xf32, #tpu.memory_space<vmem>>
      %dma_start3A_258 = tpu.memref_squeeze %dma_start3A_257 : memref<1x200x64xf32, #tpu.memory_space<vmem>> -> memref<200x64xf32, #tpu.memory_space<vmem>>
      %dma_start3A_259 = arith.constant 0 : i32
      %dma_start3A_260 = arith.constant 0 : i32
      %dma_start3A_261 = tpu.memref_slice %arg5[%add3A_253, %dma_start3A_259, %dma_start3A_260] : memref<4096x200x64xf32, #tpu.memory_space<hbm>> -> memref<1x200x64xf32, #tpu.memory_space<hbm>>
      %dma_start3A_262 = tpu.memref_squeeze %dma_start3A_261 : memref<1x200x64xf32, #tpu.memory_space<hbm>> -> memref<200x64xf32, #tpu.memory_space<hbm>>
      %dma_start3A_263 = arith.constant 0 : i32
      %dma_start3A_264 = arith.constant 0 : i32
      %dma_start3A_265 = tpu.memref_slice %arg5[%add3A_253, %dma_start3A_263, %dma_start3A_264] : memref<4096x200x64xf32, #tpu.memory_space<hbm>> -> memref<1x200x64xf32, #tpu.memory_space<hbm>>
      %dma_start3A_266 = tpu.memref_squeeze %dma_start3A_265 : memref<1x200x64xf32, #tpu.memory_space<hbm>> -> memref<200x64xf32, #tpu.memory_space<hbm>>
      %dma_start3A_267 = arith.constant 200 : i32
      %dma_start3A_268 = arith.constant 0 : i32
      %dma_start3A_269 = tpu.memref_slice %arg7[%dma_start3A_254, %dma_start3A_267, %dma_start3A_268] : memref<2x400x64xf32, #tpu.memory_space<vmem>> -> memref<1x200x64xf32, #tpu.memory_space<vmem>>
      %dma_start3A_270 = tpu.memref_squeeze %dma_start3A_269 : memref<1x200x64xf32, #tpu.memory_space<vmem>> -> memref<200x64xf32, #tpu.memory_space<vmem>>
      tpu.enqueue_dma source(%dma_start3A_270 : memref<200x64xf32, #tpu.memory_space<vmem>>) target(%dma_start3A_266 : memref<200x64xf32, #tpu.memory_space<hbm>>) target_semaphore(%arg11 : memref<!tpu.dma_semaphore, #tpu.memory_space<semaphore_mem>>)
      %mul3A_271 = arith.constant 2 : i32
      %mul3A_272 = arith.muli %mul3A_271, %scan3A_152 : i32
      %add3A_273 = arith.constant 1 : i32
      %add3A_274 = arith.addi %mul3A_272, %add3A_273 : i32
      %add3A_275 = arith.constant 1 : i32
      %add3A_276 = arith.addi %add3A_274, %add3A_275 : i32
      %lt3A_277 = arith.constant 64 : i32
      %lt3A_278 = arith.cmpi slt, %add3A_276, %lt3A_277 : i32
      %ge3A_279 = arith.constant 1 : i32
      %ge3A_280 = arith.cmpi sge, %add3A_274, %ge3A_279 : i32
      %and3A_281 = arith.andi %lt3A_278, %ge3A_280 : i1
      %convert_element_type3A_282 = arith.extui %and3A_281 : i1 to i32
      %cond3A_283 = arith.constant 0 : i32
      %cond3A_284 = arith.cmpi ne, %convert_element_type3A_282, %cond3A_283 : i32
      scf.if %cond3A_284 {
        %sub3A = arith.constant 1 : i32
        %sub3A_394 = arith.subi %add3A_274, %sub3A : i32
        %add3A_395 = arith.addi %mul3A_2, %sub3A_394 : i32
        %mul3A_396 = arith.constant 2 : i32
        %mul3A_397 = arith.muli %mul3A_396, %add3A_395 : i32
        %add3A_398 = arith.constant 0 : i32
        %add3A_399 = arith.addi %mul3A_397, %add3A_398 : i32
        %dma_wait3A_400 = arith.constant 0 : i32
        %dma_wait3A_401 = arith.constant 0 : i32
        %dma_wait3A_402 = arith.constant 0 : i32
        %dma_wait3A_403 = tpu.memref_slice %arg7[%dma_wait3A_400, %dma_wait3A_401, %dma_wait3A_402] : memref<2x400x64xf32, #tpu.memory_space<vmem>> -> memref<1x200x64xf32, #tpu.memory_space<vmem>>
        %dma_wait3A_404 = tpu.memref_squeeze %dma_wait3A_403 : memref<1x200x64xf32, #tpu.memory_space<vmem>> -> memref<200x64xf32, #tpu.memory_space<vmem>>
        %dma_wait3A_405 = arith.constant 0 : i32
        %dma_wait3A_406 = arith.constant 0 : i32
        %dma_wait3A_407 = tpu.memref_slice %arg5[%add3A_399, %dma_wait3A_405, %dma_wait3A_406] : memref<4096x200x64xf32, #tpu.memory_space<hbm>> -> memref<1x200x64xf32, #tpu.memory_space<hbm>>
        %dma_wait3A_408 = tpu.memref_squeeze %dma_wait3A_407 : memref<1x200x64xf32, #tpu.memory_space<hbm>> -> memref<200x64xf32, #tpu.memory_space<hbm>>
        %dma_wait3A_409 = arith.constant 0 : i32
        %dma_wait3A_410 = arith.constant 0 : i32
        %dma_wait3A_411 = tpu.memref_slice %arg5[%add3A_399, %dma_wait3A_409, %dma_wait3A_410] : memref<4096x200x64xf32, #tpu.memory_space<hbm>> -> memref<1x200x64xf32, #tpu.memory_space<hbm>>
        %dma_wait3A_412 = tpu.memref_squeeze %dma_wait3A_411 : memref<1x200x64xf32, #tpu.memory_space<hbm>> -> memref<200x64xf32, #tpu.memory_space<hbm>>
        %dma_wait3A_413 = arith.constant 0 : i32
        %dma_wait3A_414 = arith.constant 0 : i32
        %dma_wait3A_415 = tpu.memref_slice %arg7[%dma_wait3A_400, %dma_wait3A_413, %dma_wait3A_414] : memref<2x400x64xf32, #tpu.memory_space<vmem>> -> memref<1x200x64xf32, #tpu.memory_space<vmem>>
        %dma_wait3A_416 = tpu.memref_squeeze %dma_wait3A_415 : memref<1x200x64xf32, #tpu.memory_space<vmem>> -> memref<200x64xf32, #tpu.memory_space<vmem>>
        tpu.wait_dma2 semaphore(%arg11 : memref<!tpu.dma_semaphore, #tpu.memory_space<semaphore_mem>>) src(%dma_wait3A_416 : memref<200x64xf32, #tpu.memory_space<vmem>>) dst(%dma_wait3A_412 : memref<200x64xf32, #tpu.memory_space<hbm>>)
        %add3A_417 = arith.addi %mul3A_2, %sub3A_394 : i32
        %mul3A_418 = arith.constant 2 : i32
        %mul3A_419 = arith.muli %mul3A_418, %add3A_417 : i32
        %add3A_420 = arith.constant 1 : i32
        %add3A_421 = arith.addi %mul3A_419, %add3A_420 : i32
        %dma_wait3A_422 = arith.constant 0 : i32
        %dma_wait3A_423 = arith.constant 200 : i32
        %dma_wait3A_424 = arith.constant 0 : i32
        %dma_wait3A_425 = tpu.memref_slice %arg7[%dma_wait3A_422, %dma_wait3A_423, %dma_wait3A_424] : memref<2x400x64xf32, #tpu.memory_space<vmem>> -> memref<1x200x64xf32, #tpu.memory_space<vmem>>
        %dma_wait3A_426 = tpu.memref_squeeze %dma_wait3A_425 : memref<1x200x64xf32, #tpu.memory_space<vmem>> -> memref<200x64xf32, #tpu.memory_space<vmem>>
        %dma_wait3A_427 = arith.constant 0 : i32
        %dma_wait3A_428 = arith.constant 0 : i32
        %dma_wait3A_429 = tpu.memref_slice %arg5[%add3A_421, %dma_wait3A_427, %dma_wait3A_428] : memref<4096x200x64xf32, #tpu.memory_space<hbm>> -> memref<1x200x64xf32, #tpu.memory_space<hbm>>
        %dma_wait3A_430 = tpu.memref_squeeze %dma_wait3A_429 : memref<1x200x64xf32, #tpu.memory_space<hbm>> -> memref<200x64xf32, #tpu.memory_space<hbm>>
        %dma_wait3A_431 = arith.constant 0 : i32
        %dma_wait3A_432 = arith.constant 0 : i32
        %dma_wait3A_433 = tpu.memref_slice %arg5[%add3A_421, %dma_wait3A_431, %dma_wait3A_432] : memref<4096x200x64xf32, #tpu.memory_space<hbm>> -> memref<1x200x64xf32, #tpu.memory_space<hbm>>
        %dma_wait3A_434 = tpu.memref_squeeze %dma_wait3A_433 : memref<1x200x64xf32, #tpu.memory_space<hbm>> -> memref<200x64xf32, #tpu.memory_space<hbm>>
        %dma_wait3A_435 = arith.constant 200 : i32
        %dma_wait3A_436 = arith.constant 0 : i32
        %dma_wait3A_437 = tpu.memref_slice %arg7[%dma_wait3A_422, %dma_wait3A_435, %dma_wait3A_436] : memref<2x400x64xf32, #tpu.memory_space<vmem>> -> memref<1x200x64xf32, #tpu.memory_space<vmem>>
        %dma_wait3A_438 = tpu.memref_squeeze %dma_wait3A_437 : memref<1x200x64xf32, #tpu.memory_space<vmem>> -> memref<200x64xf32, #tpu.memory_space<vmem>>
        tpu.wait_dma2 semaphore(%arg11 : memref<!tpu.dma_semaphore, #tpu.memory_space<semaphore_mem>>) src(%dma_wait3A_438 : memref<200x64xf32, #tpu.memory_space<vmem>>) dst(%dma_wait3A_434 : memref<200x64xf32, #tpu.memory_space<hbm>>)
      } else {
      }
      %add3A_285 = arith.constant 1 : i32
      %add3A_286 = arith.addi %add3A_274, %add3A_285 : i32
      %lt3A_287 = arith.constant 64 : i32
      %lt3A_288 = arith.cmpi slt, %add3A_286, %lt3A_287 : i32
      %convert_element_type3A_289 = arith.extui %lt3A_288 : i1 to i32
      %cond3A_290 = arith.constant 0 : i32
      %cond3A_291 = arith.cmpi ne, %convert_element_type3A_289, %cond3A_290 : i32
      scf.if %cond3A_291 {
        %add3A_394 = arith.constant 1 : i32
        %add3A_395 = arith.addi %add3A_274, %add3A_394 : i32
        %add3A_396 = arith.addi %mul3A_2, %add3A_395 : i32
        %run_scoped3A_397 = arith.constant 0 : i32
        "tpu.region"() ({
          %run_scoped3A_450 = tpu.sem_alloc : memref<!tpu.dma_semaphore, #tpu.memory_space<semaphore_mem>>
          %dma_start3A_451 = arith.constant 0 : i32
          %dma_start3A_452 = arith.constant 0 : i32
          %dma_start3A_453 = tpu.memref_slice %arg6[%run_scoped3A_397, %dma_start3A_451, %dma_start3A_452] : memref<2x4x100xi32, #tpu.memory_space<vmem>> -> memref<1x4x100xi32, #tpu.memory_space<vmem>>
          %dma_start3A_454 = tpu.memref_squeeze %dma_start3A_453 : memref<1x4x100xi32, #tpu.memory_space<vmem>> -> memref<4x100xi32, #tpu.memory_space<vmem>>
          %dma_start3A_455 = arith.constant 0 : i32
          %dma_start3A_456 = arith.constant 0 : i32
          %dma_start3A_457 = tpu.memref_slice %arg2[%add3A_396, %dma_start3A_455, %dma_start3A_456] : memref<2048x4x100xi32, #tpu.memory_space<hbm>> -> memref<1x4x100xi32, #tpu.memory_space<hbm>>
          %dma_start3A_458 = tpu.memref_squeeze %dma_start3A_457 : memref<1x4x100xi32, #tpu.memory_space<hbm>> -> memref<4x100xi32, #tpu.memory_space<hbm>>
          %dma_start3A_459 = arith.constant 0 : i32
          %dma_start3A_460 = arith.constant 0 : i32
          %dma_start3A_461 = tpu.memref_slice %arg6[%run_scoped3A_397, %dma_start3A_459, %dma_start3A_460] : memref<2x4x100xi32, #tpu.memory_space<vmem>> -> memref<1x4x100xi32, #tpu.memory_space<vmem>>
          %dma_start3A_462 = tpu.memref_squeeze %dma_start3A_461 : memref<1x4x100xi32, #tpu.memory_space<vmem>> -> memref<4x100xi32, #tpu.memory_space<vmem>>
          %dma_start3A_463 = arith.constant 0 : i32
          %dma_start3A_464 = arith.constant 0 : i32
          %dma_start3A_465 = tpu.memref_slice %arg2[%add3A_396, %dma_start3A_463, %dma_start3A_464] : memref<2048x4x100xi32, #tpu.memory_space<hbm>> -> memref<1x4x100xi32, #tpu.memory_space<hbm>>
          %dma_start3A_466 = tpu.memref_squeeze %dma_start3A_465 : memref<1x4x100xi32, #tpu.memory_space<hbm>> -> memref<4x100xi32, #tpu.memory_space<hbm>>
          tpu.enqueue_dma source(%dma_start3A_466 : memref<4x100xi32, #tpu.memory_space<hbm>>) target(%dma_start3A_462 : memref<4x100xi32, #tpu.memory_space<vmem>>) target_semaphore(%run_scoped3A_450 : memref<!tpu.dma_semaphore, #tpu.memory_space<semaphore_mem>>)
          %dma_wait3A_467 = arith.constant 0 : i32
          %dma_wait3A_468 = arith.constant 0 : i32
          %dma_wait3A_469 = tpu.memref_slice %arg6[%run_scoped3A_397, %dma_wait3A_467, %dma_wait3A_468] : memref<2x4x100xi32, #tpu.memory_space<vmem>> -> memref<1x4x100xi32, #tpu.memory_space<vmem>>
          %dma_wait3A_470 = tpu.memref_squeeze %dma_wait3A_469 : memref<1x4x100xi32, #tpu.memory_space<vmem>> -> memref<4x100xi32, #tpu.memory_space<vmem>>
          %dma_wait3A_471 = arith.constant 0 : i32
          %dma_wait3A_472 = arith.constant 0 : i32
          %dma_wait3A_473 = tpu.memref_slice %arg2[%add3A_396, %dma_wait3A_471, %dma_wait3A_472] : memref<2048x4x100xi32, #tpu.memory_space<hbm>> -> memref<1x4x100xi32, #tpu.memory_space<hbm>>
          %dma_wait3A_474 = tpu.memref_squeeze %dma_wait3A_473 : memref<1x4x100xi32, #tpu.memory_space<hbm>> -> memref<4x100xi32, #tpu.memory_space<hbm>>
          %dma_wait3A_475 = arith.constant 0 : i32
          %dma_wait3A_476 = arith.constant 0 : i32
          %dma_wait3A_477 = tpu.memref_slice %arg6[%run_scoped3A_397, %dma_wait3A_475, %dma_wait3A_476] : memref<2x4x100xi32, #tpu.memory_space<vmem>> -> memref<1x4x100xi32, #tpu.memory_space<vmem>>
          %dma_wait3A_478 = tpu.memref_squeeze %dma_wait3A_477 : memref<1x4x100xi32, #tpu.memory_space<vmem>> -> memref<4x100xi32, #tpu.memory_space<vmem>>
          %dma_wait3A_479 = arith.constant 0 : i32
          %dma_wait3A_480 = arith.constant 0 : i32
          %dma_wait3A_481 = tpu.memref_slice %arg2[%add3A_396, %dma_wait3A_479, %dma_wait3A_480] : memref<2048x4x100xi32, #tpu.memory_space<hbm>> -> memref<1x4x100xi32, #tpu.memory_space<hbm>>
          %dma_wait3A_482 = tpu.memref_squeeze %dma_wait3A_481 : memref<1x4x100xi32, #tpu.memory_space<hbm>> -> memref<4x100xi32, #tpu.memory_space<hbm>>
          tpu.wait_dma2 semaphore(%run_scoped3A_450 : memref<!tpu.dma_semaphore, #tpu.memory_space<semaphore_mem>>) src(%dma_wait3A_482 : memref<4x100xi32, #tpu.memory_space<hbm>>) dst(%dma_wait3A_478 : memref<4x100xi32, #tpu.memory_space<vmem>>)
          tpu.yield
        }) : () -> ()
        %dma_start3A_398 = arith.constant 0 : i32
        %dma_start3A_399 = arith.constant 0 : i32
        %dma_start3A_400 = arith.constant 0 : i32
        %dma_start3A_401 = arith.constant 0 : i32
        %dma_start3A_402 = arith.constant 0 : i32
        %dma_start3A_403 = tpu.memref_slice %arg7[%dma_start3A_400, %dma_start3A_401, %dma_start3A_402] : memref<2x400x64xf32, #tpu.memory_space<vmem>> -> memref<1x100x64xf32, #tpu.memory_space<vmem>>
        %dma_start3A_404 = tpu.memref_squeeze %dma_start3A_403 : memref<1x100x64xf32, #tpu.memory_space<vmem>> -> memref<100x64xf32, #tpu.memory_space<vmem>>
        %dma_start3A_405 = arith.constant 0 : i32
        %dma_start3A_406 = tpu.memref_slice %arg6[%dma_start3A_398, %dma_start3A_399, %dma_start3A_405] : memref<2x4x100xi32, #tpu.memory_space<vmem>> -> memref<1x1x100xi32, #tpu.memory_space<vmem>>
        %dma_start3A_407 = tpu.memref_squeeze %dma_start3A_406 : memref<1x1x100xi32, #tpu.memory_space<vmem>> -> memref<100xi32, #tpu.memory_space<vmem>>
        %dma_start3A_408 = arith.constant 0 : i32
        %dma_start3A_409 = arith.constant 0 : i32
        %dma_start3A_410 = tpu.memref_slice %arg3[%dma_start3A_408, %dma_start3A_409] : memref<1000000x64xf32, #tpu.memory_space<hbm>> -> memref<1000000x64xf32, #tpu.memory_space<hbm>>
        tpu.enqueue_indirect_dma source(%dma_start3A_410 : memref<1000000x64xf32, #tpu.memory_space<hbm>>) target(%dma_start3A_404 : memref<100x64xf32, #tpu.memory_space<vmem>>) offsets(%dma_start3A_407 : memref<100xi32, #tpu.memory_space<vmem>>) semaphore(%arg9 : memref<!tpu.dma_semaphore, #tpu.memory_space<semaphore_mem>>)
        %dma_start3A_411 = arith.constant 0 : i32
        %dma_start3A_412 = arith.constant 1 : i32
        %dma_start3A_413 = arith.constant 0 : i32
        %dma_start3A_414 = arith.constant 100 : i32
        %dma_start3A_415 = arith.constant 0 : i32
        %dma_start3A_416 = tpu.memref_slice %arg7[%dma_start3A_413, %dma_start3A_414, %dma_start3A_415] : memref<2x400x64xf32, #tpu.memory_space<vmem>> -> memref<1x100x64xf32, #tpu.memory_space<vmem>>
        %dma_start3A_417 = tpu.memref_squeeze %dma_start3A_416 : memref<1x100x64xf32, #tpu.memory_space<vmem>> -> memref<100x64xf32, #tpu.memory_space<vmem>>
        %dma_start3A_418 = arith.constant 0 : i32
        %dma_start3A_419 = tpu.memref_slice %arg6[%dma_start3A_411, %dma_start3A_412, %dma_start3A_418] : memref<2x4x100xi32, #tpu.memory_space<vmem>> -> memref<1x1x100xi32, #tpu.memory_space<vmem>>
        %dma_start3A_420 = tpu.memref_squeeze %dma_start3A_419 : memref<1x1x100xi32, #tpu.memory_space<vmem>> -> memref<100xi32, #tpu.memory_space<vmem>>
        %dma_start3A_421 = arith.constant 0 : i32
        %dma_start3A_422 = arith.constant 0 : i32
        %dma_start3A_423 = tpu.memref_slice %arg3[%dma_start3A_421, %dma_start3A_422] : memref<1000000x64xf32, #tpu.memory_space<hbm>> -> memref<1000000x64xf32, #tpu.memory_space<hbm>>
        tpu.enqueue_indirect_dma source(%dma_start3A_423 : memref<1000000x64xf32, #tpu.memory_space<hbm>>) target(%dma_start3A_417 : memref<100x64xf32, #tpu.memory_space<vmem>>) offsets(%dma_start3A_420 : memref<100xi32, #tpu.memory_space<vmem>>) semaphore(%arg9 : memref<!tpu.dma_semaphore, #tpu.memory_space<semaphore_mem>>)
        %dma_start3A_424 = arith.constant 0 : i32
        %dma_start3A_425 = arith.constant 2 : i32
        %dma_start3A_426 = arith.constant 0 : i32
        %dma_start3A_427 = arith.constant 200 : i32
        %dma_start3A_428 = arith.constant 0 : i32
        %dma_start3A_429 = tpu.memref_slice %arg7[%dma_start3A_426, %dma_start3A_427, %dma_start3A_428] : memref<2x400x64xf32, #tpu.memory_space<vmem>> -> memref<1x100x64xf32, #tpu.memory_space<vmem>>
        %dma_start3A_430 = tpu.memref_squeeze %dma_start3A_429 : memref<1x100x64xf32, #tpu.memory_space<vmem>> -> memref<100x64xf32, #tpu.memory_space<vmem>>
        %dma_start3A_431 = arith.constant 0 : i32
        %dma_start3A_432 = tpu.memref_slice %arg6[%dma_start3A_424, %dma_start3A_425, %dma_start3A_431] : memref<2x4x100xi32, #tpu.memory_space<vmem>> -> memref<1x1x100xi32, #tpu.memory_space<vmem>>
        %dma_start3A_433 = tpu.memref_squeeze %dma_start3A_432 : memref<1x1x100xi32, #tpu.memory_space<vmem>> -> memref<100xi32, #tpu.memory_space<vmem>>
        %dma_start3A_434 = arith.constant 0 : i32
        %dma_start3A_435 = arith.constant 0 : i32
        %dma_start3A_436 = tpu.memref_slice %arg3[%dma_start3A_434, %dma_start3A_435] : memref<1000000x64xf32, #tpu.memory_space<hbm>> -> memref<1000000x64xf32, #tpu.memory_space<hbm>>
        tpu.enqueue_indirect_dma source(%dma_start3A_436 : memref<1000000x64xf32, #tpu.memory_space<hbm>>) target(%dma_start3A_430 : memref<100x64xf32, #tpu.memory_space<vmem>>) offsets(%dma_start3A_433 : memref<100xi32, #tpu.memory_space<vmem>>) semaphore(%arg9 : memref<!tpu.dma_semaphore, #tpu.memory_space<semaphore_mem>>)
        %dma_start3A_437 = arith.constant 0 : i32
        %dma_start3A_438 = arith.constant 3 : i32
        %dma_start3A_439 = arith.constant 0 : i32
        %dma_start3A_440 = arith.constant 300 : i32
        %dma_start3A_441 = arith.constant 0 : i32
        %dma_start3A_442 = tpu.memref_slice %arg7[%dma_start3A_439, %dma_start3A_440, %dma_start3A_441] : memref<2x400x64xf32, #tpu.memory_space<vmem>> -> memref<1x100x64xf32, #tpu.memory_space<vmem>>
        %dma_start3A_443 = tpu.memref_squeeze %dma_start3A_442 : memref<1x100x64xf32, #tpu.memory_space<vmem>> -> memref<100x64xf32, #tpu.memory_space<vmem>>
        %dma_start3A_444 = arith.constant 0 : i32
        %dma_start3A_445 = tpu.memref_slice %arg6[%dma_start3A_437, %dma_start3A_438, %dma_start3A_444] : memref<2x4x100xi32, #tpu.memory_space<vmem>> -> memref<1x1x100xi32, #tpu.memory_space<vmem>>
        %dma_start3A_446 = tpu.memref_squeeze %dma_start3A_445 : memref<1x1x100xi32, #tpu.memory_space<vmem>> -> memref<100xi32, #tpu.memory_space<vmem>>
        %dma_start3A_447 = arith.constant 0 : i32
        %dma_start3A_448 = arith.constant 0 : i32
        %dma_start3A_449 = tpu.memref_slice %arg3[%dma_start3A_447, %dma_start3A_448] : memref<1000000x64xf32, #tpu.memory_space<hbm>> -> memref<1000000x64xf32, #tpu.memory_space<hbm>>
        tpu.enqueue_indirect_dma source(%dma_start3A_449 : memref<1000000x64xf32, #tpu.memory_space<hbm>>) target(%dma_start3A_443 : memref<100x64xf32, #tpu.memory_space<vmem>>) offsets(%dma_start3A_446 : memref<100xi32, #tpu.memory_space<vmem>>) semaphore(%arg9 : memref<!tpu.dma_semaphore, #tpu.memory_space<semaphore_mem>>)
      } else {
      }
      %dma_wait3A_292 = arith.constant 1 : i32
      %dma_wait3A_293 = arith.constant 0 : i32
      %dma_wait3A_294 = arith.constant 1 : i32
      %dma_wait3A_295 = arith.constant 0 : i32
      %dma_wait3A_296 = arith.constant 0 : i32
      %dma_wait3A_297 = tpu.memref_slice %arg7[%dma_wait3A_294, %dma_wait3A_295, %dma_wait3A_296] : memref<2x400x64xf32, #tpu.memory_space<vmem>> -> memref<1x100x64xf32, #tpu.memory_space<vmem>>
      %dma_wait3A_298 = tpu.memref_squeeze %dma_wait3A_297 : memref<1x100x64xf32, #tpu.memory_space<vmem>> -> memref<100x64xf32, #tpu.memory_space<vmem>>
      %dma_wait3A_299 = arith.constant 0 : i32
      %dma_wait3A_300 = tpu.memref_slice %arg6[%dma_wait3A_292, %dma_wait3A_293, %dma_wait3A_299] : memref<2x4x100xi32, #tpu.memory_space<vmem>> -> memref<1x1x100xi32, #tpu.memory_space<vmem>>
      %dma_wait3A_301 = tpu.memref_squeeze %dma_wait3A_300 : memref<1x1x100xi32, #tpu.memory_space<vmem>> -> memref<100xi32, #tpu.memory_space<vmem>>
      %dma_wait3A_302 = arith.constant 0 : i32
      %dma_wait3A_303 = arith.constant 0 : i32
      %dma_wait3A_304 = tpu.memref_slice %arg3[%dma_wait3A_302, %dma_wait3A_303] : memref<1000000x64xf32, #tpu.memory_space<hbm>> -> memref<1000000x64xf32, #tpu.memory_space<hbm>>
      tpu.wait_indirect_dma semaphore(%arg10 : memref<!tpu.dma_semaphore, #tpu.memory_space<semaphore_mem>>) src(%dma_wait3A_304 : memref<1000000x64xf32, #tpu.memory_space<hbm>>) dst(%dma_wait3A_298 : memref<100x64xf32, #tpu.memory_space<vmem>>)
      %dma_wait3A_305 = arith.constant 1 : i32
      %dma_wait3A_306 = arith.constant 0 : i32
      %dma_wait3A_307 = arith.constant 1 : i32
      %dma_wait3A_308 = arith.constant 100 : i32
      %dma_wait3A_309 = arith.constant 0 : i32
      %dma_wait3A_310 = tpu.memref_slice %arg7[%dma_wait3A_307, %dma_wait3A_308, %dma_wait3A_309] : memref<2x400x64xf32, #tpu.memory_space<vmem>> -> memref<1x100x64xf32, #tpu.memory_space<vmem>>
      %dma_wait3A_311 = tpu.memref_squeeze %dma_wait3A_310 : memref<1x100x64xf32, #tpu.memory_space<vmem>> -> memref<100x64xf32, #tpu.memory_space<vmem>>
      %dma_wait3A_312 = arith.constant 0 : i32
      %dma_wait3A_313 = tpu.memref_slice %arg6[%dma_wait3A_305, %dma_wait3A_306, %dma_wait3A_312] : memref<2x4x100xi32, #tpu.memory_space<vmem>> -> memref<1x1x100xi32, #tpu.memory_space<vmem>>
      %dma_wait3A_314 = tpu.memref_squeeze %dma_wait3A_313 : memref<1x1x100xi32, #tpu.memory_space<vmem>> -> memref<100xi32, #tpu.memory_space<vmem>>
      %dma_wait3A_315 = arith.constant 0 : i32
      %dma_wait3A_316 = arith.constant 0 : i32
      %dma_wait3A_317 = tpu.memref_slice %arg3[%dma_wait3A_315, %dma_wait3A_316] : memref<1000000x64xf32, #tpu.memory_space<hbm>> -> memref<1000000x64xf32, #tpu.memory_space<hbm>>
      tpu.wait_indirect_dma semaphore(%arg10 : memref<!tpu.dma_semaphore, #tpu.memory_space<semaphore_mem>>) src(%dma_wait3A_317 : memref<1000000x64xf32, #tpu.memory_space<hbm>>) dst(%dma_wait3A_311 : memref<100x64xf32, #tpu.memory_space<vmem>>)
      %dma_wait3A_318 = arith.constant 1 : i32
      %dma_wait3A_319 = arith.constant 0 : i32
      %dma_wait3A_320 = arith.constant 1 : i32
      %dma_wait3A_321 = arith.constant 200 : i32
      %dma_wait3A_322 = arith.constant 0 : i32
      %dma_wait3A_323 = tpu.memref_slice %arg7[%dma_wait3A_320, %dma_wait3A_321, %dma_wait3A_322] : memref<2x400x64xf32, #tpu.memory_space<vmem>> -> memref<1x100x64xf32, #tpu.memory_space<vmem>>
      %dma_wait3A_324 = tpu.memref_squeeze %dma_wait3A_323 : memref<1x100x64xf32, #tpu.memory_space<vmem>> -> memref<100x64xf32, #tpu.memory_space<vmem>>
      %dma_wait3A_325 = arith.constant 0 : i32
      %dma_wait3A_326 = tpu.memref_slice %arg6[%dma_wait3A_318, %dma_wait3A_319, %dma_wait3A_325] : memref<2x4x100xi32, #tpu.memory_space<vmem>> -> memref<1x1x100xi32, #tpu.memory_space<vmem>>
      %dma_wait3A_327 = tpu.memref_squeeze %dma_wait3A_326 : memref<1x1x100xi32, #tpu.memory_space<vmem>> -> memref<100xi32, #tpu.memory_space<vmem>>
      %dma_wait3A_328 = arith.constant 0 : i32
      %dma_wait3A_329 = arith.constant 0 : i32
      %dma_wait3A_330 = tpu.memref_slice %arg3[%dma_wait3A_328, %dma_wait3A_329] : memref<1000000x64xf32, #tpu.memory_space<hbm>> -> memref<1000000x64xf32, #tpu.memory_space<hbm>>
      tpu.wait_indirect_dma semaphore(%arg10 : memref<!tpu.dma_semaphore, #tpu.memory_space<semaphore_mem>>) src(%dma_wait3A_330 : memref<1000000x64xf32, #tpu.memory_space<hbm>>) dst(%dma_wait3A_324 : memref<100x64xf32, #tpu.memory_space<vmem>>)
      %dma_wait3A_331 = arith.constant 1 : i32
      %dma_wait3A_332 = arith.constant 0 : i32
      %dma_wait3A_333 = arith.constant 1 : i32
      %dma_wait3A_334 = arith.constant 300 : i32
      %dma_wait3A_335 = arith.constant 0 : i32
      %dma_wait3A_336 = tpu.memref_slice %arg7[%dma_wait3A_333, %dma_wait3A_334, %dma_wait3A_335] : memref<2x400x64xf32, #tpu.memory_space<vmem>> -> memref<1x100x64xf32, #tpu.memory_space<vmem>>
      %dma_wait3A_337 = tpu.memref_squeeze %dma_wait3A_336 : memref<1x100x64xf32, #tpu.memory_space<vmem>> -> memref<100x64xf32, #tpu.memory_space<vmem>>
      %dma_wait3A_338 = arith.constant 0 : i32
      %dma_wait3A_339 = tpu.memref_slice %arg6[%dma_wait3A_331, %dma_wait3A_332, %dma_wait3A_338] : memref<2x4x100xi32, #tpu.memory_space<vmem>> -> memref<1x1x100xi32, #tpu.memory_space<vmem>>
      %dma_wait3A_340 = tpu.memref_squeeze %dma_wait3A_339 : memref<1x1x100xi32, #tpu.memory_space<vmem>> -> memref<100xi32, #tpu.memory_space<vmem>>
      %dma_wait3A_341 = arith.constant 0 : i32
      %dma_wait3A_342 = arith.constant 0 : i32
      %dma_wait3A_343 = tpu.memref_slice %arg3[%dma_wait3A_341, %dma_wait3A_342] : memref<1000000x64xf32, #tpu.memory_space<hbm>> -> memref<1000000x64xf32, #tpu.memory_space<hbm>>
      tpu.wait_indirect_dma semaphore(%arg10 : memref<!tpu.dma_semaphore, #tpu.memory_space<semaphore_mem>>) src(%dma_wait3A_343 : memref<1000000x64xf32, #tpu.memory_space<hbm>>) dst(%dma_wait3A_337 : memref<100x64xf32, #tpu.memory_space<vmem>>)
      %scan3A_344 = arith.constant 0 : i32
      %scan3A_345 = arith.constant 0 : i32
      %scan3A_346 = arith.constant 400 : i32
      %scan3A_347 = arith.addi %scan3A_345, %scan3A_346 : i32
      %scan3A_348 = arith.constant 1 : i32
      scf.for %scan3A_394 = %scan3A_345 to %scan3A_347 step %scan3A_348  : i32 {
        %get3A = arith.index_cast %scan3A_394 : i32 to index
        %get3A_395 = arith.constant 0 : index
        %get3A_396 = tpu.vector_load %arg8[%get3A, %get3A_395] {strides = array<i32>} : memref<400x64xf32, #tpu.memory_space<vmem>>, vector<1x16xf32>,
        %get3A_397 = vector.shape_cast %get3A_396 : vector<1x16xf32> to vector<16xf32>
        %swap3A = arith.constant 1 : i32
        %swap3A_398 = arith.index_cast %swap3A : i32 to index
        %swap3A_399 = arith.index_cast %scan3A_394 : i32 to index
        %swap3A_400 = arith.constant 0 : index
        %swap3A_401 = tpu.vector_load %arg7[%swap3A_398, %swap3A_399, %swap3A_400] {strides = array<i32>} : memref<2x400x64xf32, #tpu.memory_space<vmem>>, vector<1x1x16xf32>,
        %swap3A_402 = vector.shape_cast %swap3A_401 : vector<1x1x16xf32> to vector<16xf32>
        %swap3A_403 = vector.shape_cast %get3A_397 : vector<16xf32> to vector<1x1x16xf32>
        tpu.vector_store %arg7[%swap3A_398, %swap3A_399, %swap3A_400], %swap3A_403 {add = true, strides = array<i32>} : memref<2x400x64xf32, #tpu.memory_space<vmem>>, vector<1x1x16xf32>,
        %get3A_404 = arith.index_cast %scan3A_394 : i32 to index
        %get3A_405 = arith.constant 16 : index
        %get3A_406 = tpu.vector_load %arg8[%get3A_404, %get3A_405] {strides = array<i32>} : memref<400x64xf32, #tpu.memory_space<vmem>>, vector<1x16xf32>,
        %get3A_407 = vector.shape_cast %get3A_406 : vector<1x16xf32> to vector<16xf32>
        %swap3A_408 = arith.constant 1 : i32
        %swap3A_409 = arith.index_cast %swap3A_408 : i32 to index
        %swap3A_410 = arith.index_cast %scan3A_394 : i32 to index
        %swap3A_411 = arith.constant 16 : index
        %swap3A_412 = tpu.vector_load %arg7[%swap3A_409, %swap3A_410, %swap3A_411] {strides = array<i32>} : memref<2x400x64xf32, #tpu.memory_space<vmem>>, vector<1x1x16xf32>,
        %swap3A_413 = vector.shape_cast %swap3A_412 : vector<1x1x16xf32> to vector<16xf32>
        %swap3A_414 = vector.shape_cast %get3A_407 : vector<16xf32> to vector<1x1x16xf32>
        tpu.vector_store %arg7[%swap3A_409, %swap3A_410, %swap3A_411], %swap3A_414 {add = true, strides = array<i32>} : memref<2x400x64xf32, #tpu.memory_space<vmem>>, vector<1x1x16xf32>,
        %get3A_415 = arith.index_cast %scan3A_394 : i32 to index
        %get3A_416 = arith.constant 32 : index
        %get3A_417 = tpu.vector_load %arg8[%get3A_415, %get3A_416] {strides = array<i32>} : memref<400x64xf32, #tpu.memory_space<vmem>>, vector<1x16xf32>,
        %get3A_418 = vector.shape_cast %get3A_417 : vector<1x16xf32> to vector<16xf32>
        %swap3A_419 = arith.constant 1 : i32
        %swap3A_420 = arith.index_cast %swap3A_419 : i32 to index
        %swap3A_421 = arith.index_cast %scan3A_394 : i32 to index
        %swap3A_422 = arith.constant 32 : index
        %swap3A_423 = tpu.vector_load %arg7[%swap3A_420, %swap3A_421, %swap3A_422] {strides = array<i32>} : memref<2x400x64xf32, #tpu.memory_space<vmem>>, vector<1x1x16xf32>,
        %swap3A_424 = vector.shape_cast %swap3A_423 : vector<1x1x16xf32> to vector<16xf32>
        %swap3A_425 = vector.shape_cast %get3A_418 : vector<16xf32> to vector<1x1x16xf32>
        tpu.vector_store %arg7[%swap3A_420, %swap3A_421, %swap3A_422], %swap3A_425 {add = true, strides = array<i32>} : memref<2x400x64xf32, #tpu.memory_space<vmem>>, vector<1x1x16xf32>,
        %get3A_426 = arith.index_cast %scan3A_394 : i32 to index
        %get3A_427 = arith.constant 48 : index
        %get3A_428 = tpu.vector_load %arg8[%get3A_426, %get3A_427] {strides = array<i32>} : memref<400x64xf32, #tpu.memory_space<vmem>>, vector<1x16xf32>,
        %get3A_429 = vector.shape_cast %get3A_428 : vector<1x16xf32> to vector<16xf32>
        %swap3A_430 = arith.constant 1 : i32
        %swap3A_431 = arith.index_cast %swap3A_430 : i32 to index
        %swap3A_432 = arith.index_cast %scan3A_394 : i32 to index
        %swap3A_433 = arith.constant 48 : index
        %swap3A_434 = tpu.vector_load %arg7[%swap3A_431, %swap3A_432, %swap3A_433] {strides = array<i32>} : memref<2x400x64xf32, #tpu.memory_space<vmem>>, vector<1x1x16xf32>,
        %swap3A_435 = vector.shape_cast %swap3A_434 : vector<1x1x16xf32> to vector<16xf32>
        %swap3A_436 = vector.shape_cast %get3A_429 : vector<16xf32> to vector<1x1x16xf32>
        tpu.vector_store %arg7[%swap3A_431, %swap3A_432, %swap3A_433], %swap3A_436 {add = true, strides = array<i32>} : memref<2x400x64xf32, #tpu.memory_space<vmem>>, vector<1x1x16xf32>,
      }
      %scan3A_349 = arith.constant 400 : i32
      %add3A_350 = arith.addi %mul3A_2, %add3A_274 : i32
      %mul3A_351 = arith.constant 2 : i32
      %mul3A_352 = arith.muli %mul3A_351, %add3A_350 : i32
      %add3A_353 = arith.constant 0 : i32
      %add3A_354 = arith.addi %mul3A_352, %add3A_353 : i32
      %dma_start3A_355 = arith.constant 1 : i32
      %dma_start3A_356 = arith.constant 0 : i32
      %dma_start3A_357 = arith.constant 0 : i32
      %dma_start3A_358 = tpu.memref_slice %arg7[%dma_start3A_355, %dma_start3A_356, %dma_start3A_357] : memref<2x400x64xf32, #tpu.memory_space<vmem>> -> memref<1x200x64xf32, #tpu.memory_space<vmem>>
      %dma_start3A_359 = tpu.memref_squeeze %dma_start3A_358 : memref<1x200x64xf32, #tpu.memory_space<vmem>> -> memref<200x64xf32, #tpu.memory_space<vmem>>
      %dma_start3A_360 = arith.constant 0 : i32
      %dma_start3A_361 = arith.constant 0 : i32
      %dma_start3A_362 = tpu.memref_slice %arg5[%add3A_354, %dma_start3A_360, %dma_start3A_361] : memref<4096x200x64xf32, #tpu.memory_space<hbm>> -> memref<1x200x64xf32, #tpu.memory_space<hbm>>
      %dma_start3A_363 = tpu.memref_squeeze %dma_start3A_362 : memref<1x200x64xf32, #tpu.memory_space<hbm>> -> memref<200x64xf32, #tpu.memory_space<hbm>>
      %dma_start3A_364 = arith.constant 0 : i32
      %dma_start3A_365 = arith.constant 0 : i32
      %dma_start3A_366 = tpu.memref_slice %arg5[%add3A_354, %dma_start3A_364, %dma_start3A_365] : memref<4096x200x64xf32, #tpu.memory_space<hbm>> -> memref<1x200x64xf32, #tpu.memory_space<hbm>>
      %dma_start3A_367 = tpu.memref_squeeze %dma_start3A_366 : memref<1x200x64xf32, #tpu.memory_space<hbm>> -> memref<200x64xf32, #tpu.memory_space<hbm>>
      %dma_start3A_368 = arith.constant 0 : i32
      %dma_start3A_369 = arith.constant 0 : i32
      %dma_start3A_370 = tpu.memref_slice %arg7[%dma_start3A_355, %dma_start3A_368, %dma_start3A_369] : memref<2x400x64xf32, #tpu.memory_space<vmem>> -> memref<1x200x64xf32, #tpu.memory_space<vmem>>
      %dma_start3A_371 = tpu.memref_squeeze %dma_start3A_370 : memref<1x200x64xf32, #tpu.memory_space<vmem>> -> memref<200x64xf32, #tpu.memory_space<vmem>>
      tpu.enqueue_dma source(%dma_start3A_371 : memref<200x64xf32, #tpu.memory_space<vmem>>) target(%dma_start3A_367 : memref<200x64xf32, #tpu.memory_space<hbm>>) target_semaphore(%arg12 : memref<!tpu.dma_semaphore, #tpu.memory_space<semaphore_mem>>)
      %add3A_372 = arith.addi %mul3A_2, %add3A_274 : i32
      %mul3A_373 = arith.constant 2 : i32
      %mul3A_374 = arith.muli %mul3A_373, %add3A_372 : i32
      %add3A_375 = arith.constant 1 : i32
      %add3A_376 = arith.addi %mul3A_374, %add3A_375 : i32
      %dma_start3A_377 = arith.constant 1 : i32
      %dma_start3A_378 = arith.constant 200 : i32
      %dma_start3A_379 = arith.constant 0 : i32
      %dma_start3A_380 = tpu.memref_slice %arg7[%dma_start3A_377, %dma_start3A_378, %dma_start3A_379] : memref<2x400x64xf32, #tpu.memory_space<vmem>> -> memref<1x200x64xf32, #tpu.memory_space<vmem>>
      %dma_start3A_381 = tpu.memref_squeeze %dma_start3A_380 : memref<1x200x64xf32, #tpu.memory_space<vmem>> -> memref<200x64xf32, #tpu.memory_space<vmem>>
      %dma_start3A_382 = arith.constant 0 : i32
      %dma_start3A_383 = arith.constant 0 : i32
      %dma_start3A_384 = tpu.memref_slice %arg5[%add3A_376, %dma_start3A_382, %dma_start3A_383] : memref<4096x200x64xf32, #tpu.memory_space<hbm>> -> memref<1x200x64xf32, #tpu.memory_space<hbm>>
      %dma_start3A_385 = tpu.memref_squeeze %dma_start3A_384 : memref<1x200x64xf32, #tpu.memory_space<hbm>> -> memref<200x64xf32, #tpu.memory_space<hbm>>
      %dma_start3A_386 = arith.constant 0 : i32
      %dma_start3A_387 = arith.constant 0 : i32
      %dma_start3A_388 = tpu.memref_slice %arg5[%add3A_376, %dma_start3A_386, %dma_start3A_387] : memref<4096x200x64xf32, #tpu.memory_space<hbm>> -> memref<1x200x64xf32, #tpu.memory_space<hbm>>
      %dma_start3A_389 = tpu.memref_squeeze %dma_start3A_388 : memref<1x200x64xf32, #tpu.memory_space<hbm>> -> memref<200x64xf32, #tpu.memory_space<hbm>>
      %dma_start3A_390 = arith.constant 200 : i32
      %dma_start3A_391 = arith.constant 0 : i32
      %dma_start3A_392 = tpu.memref_slice %arg7[%dma_start3A_377, %dma_start3A_390, %dma_start3A_391] : memref<2x400x64xf32, #tpu.memory_space<vmem>> -> memref<1x200x64xf32, #tpu.memory_space<vmem>>
      %dma_start3A_393 = tpu.memref_squeeze %dma_start3A_392 : memref<1x200x64xf32, #tpu.memory_space<vmem>> -> memref<200x64xf32, #tpu.memory_space<vmem>>
      tpu.enqueue_dma source(%dma_start3A_393 : memref<200x64xf32, #tpu.memory_space<vmem>>) target(%dma_start3A_389 : memref<200x64xf32, #tpu.memory_space<hbm>>) target_semaphore(%arg12 : memref<!tpu.dma_semaphore, #tpu.memory_space<semaphore_mem>>)
    }
    %scan3A_60 = arith.constant 32 : i32
    %add3A_61 = arith.constant 62 : i32
    %add3A_62 = arith.addi %mul3A_2, %add3A_61 : i32
    %mul3A_63 = arith.constant 2 : i32
    %mul3A_64 = arith.muli %mul3A_63, %add3A_62 : i32
    %add3A_65 = arith.constant 0 : i32
    %add3A_66 = arith.addi %mul3A_64, %add3A_65 : i32
    %dma_wait3A = arith.constant 0 : i32
    %dma_wait3A_67 = arith.constant 0 : i32
    %dma_wait3A_68 = arith.constant 0 : i32
    %dma_wait3A_69 = tpu.memref_slice %arg7[%dma_wait3A, %dma_wait3A_67, %dma_wait3A_68] : memref<2x400x64xf32, #tpu.memory_space<vmem>> -> memref<1x200x64xf32, #tpu.memory_space<vmem>>
    %dma_wait3A_70 = tpu.memref_squeeze %dma_wait3A_69 : memref<1x200x64xf32, #tpu.memory_space<vmem>> -> memref<200x64xf32, #tpu.memory_space<vmem>>
    %dma_wait3A_71 = arith.constant 0 : i32
    %dma_wait3A_72 = arith.constant 0 : i32
    %dma_wait3A_73 = tpu.memref_slice %arg5[%add3A_66, %dma_wait3A_71, %dma_wait3A_72] : memref<4096x200x64xf32, #tpu.memory_space<hbm>> -> memref<1x200x64xf32, #tpu.memory_space<hbm>>
    %dma_wait3A_74 = tpu.memref_squeeze %dma_wait3A_73 : memref<1x200x64xf32, #tpu.memory_space<hbm>> -> memref<200x64xf32, #tpu.memory_space<hbm>>
    %dma_wait3A_75 = arith.constant 0 : i32
    %dma_wait3A_76 = arith.constant 0 : i32
    %dma_wait3A_77 = tpu.memref_slice %arg5[%add3A_66, %dma_wait3A_75, %dma_wait3A_76] : memref<4096x200x64xf32, #tpu.memory_space<hbm>> -> memref<1x200x64xf32, #tpu.memory_space<hbm>>
    %dma_wait3A_78 = tpu.memref_squeeze %dma_wait3A_77 : memref<1x200x64xf32, #tpu.memory_space<hbm>> -> memref<200x64xf32, #tpu.memory_space<hbm>>
    %dma_wait3A_79 = arith.constant 0 : i32
    %dma_wait3A_80 = arith.constant 0 : i32
    %dma_wait3A_81 = tpu.memref_slice %arg7[%dma_wait3A, %dma_wait3A_79, %dma_wait3A_80] : memref<2x400x64xf32, #tpu.memory_space<vmem>> -> memref<1x200x64xf32, #tpu.memory_space<vmem>>
    %dma_wait3A_82 = tpu.memref_squeeze %dma_wait3A_81 : memref<1x200x64xf32, #tpu.memory_space<vmem>> -> memref<200x64xf32, #tpu.memory_space<vmem>>
    tpu.wait_dma2 semaphore(%arg11 : memref<!tpu.dma_semaphore, #tpu.memory_space<semaphore_mem>>) src(%dma_wait3A_82 : memref<200x64xf32, #tpu.memory_space<vmem>>) dst(%dma_wait3A_78 : memref<200x64xf32, #tpu.memory_space<hbm>>)
    %add3A_83 = arith.constant 62 : i32
    %add3A_84 = arith.addi %mul3A_2, %add3A_83 : i32
    %mul3A_85 = arith.constant 2 : i32
    %mul3A_86 = arith.muli %mul3A_85, %add3A_84 : i32
    %add3A_87 = arith.constant 1 : i32
    %add3A_88 = arith.addi %mul3A_86, %add3A_87 : i32
    %dma_wait3A_89 = arith.constant 0 : i32
    %dma_wait3A_90 = arith.constant 200 : i32
    %dma_wait3A_91 = arith.constant 0 : i32
    %dma_wait3A_92 = tpu.memref_slice %arg7[%dma_wait3A_89, %dma_wait3A_90, %dma_wait3A_91] : memref<2x400x64xf32, #tpu.memory_space<vmem>> -> memref<1x200x64xf32, #tpu.memory_space<vmem>>
    %dma_wait3A_93 = tpu.memref_squeeze %dma_wait3A_92 : memref<1x200x64xf32, #tpu.memory_space<vmem>> -> memref<200x64xf32, #tpu.memory_space<vmem>>
    %dma_wait3A_94 = arith.constant 0 : i32
    %dma_wait3A_95 = arith.constant 0 : i32
    %dma_wait3A_96 = tpu.memref_slice %arg5[%add3A_88, %dma_wait3A_94, %dma_wait3A_95] : memref<4096x200x64xf32, #tpu.memory_space<hbm>> -> memref<1x200x64xf32, #tpu.memory_space<hbm>>
    %dma_wait3A_97 = tpu.memref_squeeze %dma_wait3A_96 : memref<1x200x64xf32, #tpu.memory_space<hbm>> -> memref<200x64xf32, #tpu.memory_space<hbm>>
    %dma_wait3A_98 = arith.constant 0 : i32
    %dma_wait3A_99 = arith.constant 0 : i32
    %dma_wait3A_100 = tpu.memref_slice %arg5[%add3A_88, %dma_wait3A_98, %dma_wait3A_99] : memref<4096x200x64xf32, #tpu.memory_space<hbm>> -> memref<1x200x64xf32, #tpu.memory_space<hbm>>
    %dma_wait3A_101 = tpu.memref_squeeze %dma_wait3A_100 : memref<1x200x64xf32, #tpu.memory_space<hbm>> -> memref<200x64xf32, #tpu.memory_space<hbm>>
    %dma_wait3A_102 = arith.constant 200 : i32
    %dma_wait3A_103 = arith.constant 0 : i32
    %dma_wait3A_104 = tpu.memref_slice %arg7[%dma_wait3A_89, %dma_wait3A_102, %dma_wait3A_103] : memref<2x400x64xf32, #tpu.memory_space<vmem>> -> memref<1x200x64xf32, #tpu.memory_space<vmem>>
    %dma_wait3A_105 = tpu.memref_squeeze %dma_wait3A_104 : memref<1x200x64xf32, #tpu.memory_space<vmem>> -> memref<200x64xf32, #tpu.memory_space<vmem>>
    tpu.wait_dma2 semaphore(%arg11 : memref<!tpu.dma_semaphore, #tpu.memory_space<semaphore_mem>>) src(%dma_wait3A_105 : memref<200x64xf32, #tpu.memory_space<vmem>>) dst(%dma_wait3A_101 : memref<200x64xf32, #tpu.memory_space<hbm>>)
    %add3A_106 = arith.constant 63 : i32
    %add3A_107 = arith.addi %mul3A_2, %add3A_106 : i32
    %mul3A_108 = arith.constant 2 : i32
    %mul3A_109 = arith.muli %mul3A_108, %add3A_107 : i32
    %add3A_110 = arith.constant 0 : i32
    %add3A_111 = arith.addi %mul3A_109, %add3A_110 : i32
    %dma_wait3A_112 = arith.constant 1 : i32
    %dma_wait3A_113 = arith.constant 0 : i32
    %dma_wait3A_114 = arith.constant 0 : i32
    %dma_wait3A_115 = tpu.memref_slice %arg7[%dma_wait3A_112, %dma_wait3A_113, %dma_wait3A_114] : memref<2x400x64xf32, #tpu.memory_space<vmem>> -> memref<1x200x64xf32, #tpu.memory_space<vmem>>
    %dma_wait3A_116 = tpu.memref_squeeze %dma_wait3A_115 : memref<1x200x64xf32, #tpu.memory_space<vmem>> -> memref<200x64xf32, #tpu.memory_space<vmem>>
    %dma_wait3A_117 = arith.constant 0 : i32
    %dma_wait3A_118 = arith.constant 0 : i32
    %dma_wait3A_119 = tpu.memref_slice %arg5[%add3A_111, %dma_wait3A_117, %dma_wait3A_118] : memref<4096x200x64xf32, #tpu.memory_space<hbm>> -> memref<1x200x64xf32, #tpu.memory_space<hbm>>
    %dma_wait3A_120 = tpu.memref_squeeze %dma_wait3A_119 : memref<1x200x64xf32, #tpu.memory_space<hbm>> -> memref<200x64xf32, #tpu.memory_space<hbm>>
    %dma_wait3A_121 = arith.constant 0 : i32
    %dma_wait3A_122 = arith.constant 0 : i32
    %dma_wait3A_123 = tpu.memref_slice %arg5[%add3A_111, %dma_wait3A_121, %dma_wait3A_122] : memref<4096x200x64xf32, #tpu.memory_space<hbm>> -> memref<1x200x64xf32, #tpu.memory_space<hbm>>
    %dma_wait3A_124 = tpu.memref_squeeze %dma_wait3A_123 : memref<1x200x64xf32, #tpu.memory_space<hbm>> -> memref<200x64xf32, #tpu.memory_space<hbm>>
    %dma_wait3A_125 = arith.constant 0 : i32
    %dma_wait3A_126 = arith.constant 0 : i32
    %dma_wait3A_127 = tpu.memref_slice %arg7[%dma_wait3A_112, %dma_wait3A_125, %dma_wait3A_126] : memref<2x400x64xf32, #tpu.memory_space<vmem>> -> memref<1x200x64xf32, #tpu.memory_space<vmem>>
    %dma_wait3A_128 = tpu.memref_squeeze %dma_wait3A_127 : memref<1x200x64xf32, #tpu.memory_space<vmem>> -> memref<200x64xf32, #tpu.memory_space<vmem>>
    tpu.wait_dma2 semaphore(%arg12 : memref<!tpu.dma_semaphore, #tpu.memory_space<semaphore_mem>>) src(%dma_wait3A_128 : memref<200x64xf32, #tpu.memory_space<vmem>>) dst(%dma_wait3A_124 : memref<200x64xf32, #tpu.memory_space<hbm>>)
    %add3A_129 = arith.constant 63 : i32
    %add3A_130 = arith.addi %mul3A_2, %add3A_129 : i32
    %mul3A_131 = arith.constant 2 : i32
    %mul3A_132 = arith.muli %mul3A_131, %add3A_130 : i32
    %add3A_133 = arith.constant 1 : i32
    %add3A_134 = arith.addi %mul3A_132, %add3A_133 : i32
    %dma_wait3A_135 = arith.constant 1 : i32
    %dma_wait3A_136 = arith.constant 200 : i32
    %dma_wait3A_137 = arith.constant 0 : i32
    %dma_wait3A_138 = tpu.memref_slice %arg7[%dma_wait3A_135, %dma_wait3A_136, %dma_wait3A_137] : memref<2x400x64xf32, #tpu.memory_space<vmem>> -> memref<1x200x64xf32, #tpu.memory_space<vmem>>
    %dma_wait3A_139 = tpu.memref_squeeze %dma_wait3A_138 : memref<1x200x64xf32, #tpu.memory_space<vmem>> -> memref<200x64xf32, #tpu.memory_space<vmem>>
    %dma_wait3A_140 = arith.constant 0 : i32
    %dma_wait3A_141 = arith.constant 0 : i32
    %dma_wait3A_142 = tpu.memref_slice %arg5[%add3A_134, %dma_wait3A_140, %dma_wait3A_141] : memref<4096x200x64xf32, #tpu.memory_space<hbm>> -> memref<1x200x64xf32, #tpu.memory_space<hbm>>
    %dma_wait3A_143 = tpu.memref_squeeze %dma_wait3A_142 : memref<1x200x64xf32, #tpu.memory_space<hbm>> -> memref<200x64xf32, #tpu.memory_space<hbm>>
    %dma_wait3A_144 = arith.constant 0 : i32
    %dma_wait3A_145 = arith.constant 0 : i32
    %dma_wait3A_146 = tpu.memref_slice %arg5[%add3A_134, %dma_wait3A_144, %dma_wait3A_145] : memref<4096x200x64xf32, #tpu.memory_space<hbm>> -> memref<1x200x64xf32, #tpu.memory_space<hbm>>
    %dma_wait3A_147 = tpu.memref_squeeze %dma_wait3A_146 : memref<1x200x64xf32, #tpu.memory_space<hbm>> -> memref<200x64xf32, #tpu.memory_space<hbm>>
    %dma_wait3A_148 = arith.constant 200 : i32
    %dma_wait3A_149 = arith.constant 0 : i32
    %dma_wait3A_150 = tpu.memref_slice %arg7[%dma_wait3A_135, %dma_wait3A_148, %dma_wait3A_149] : memref<2x400x64xf32, #tpu.memory_space<vmem>> -> memref<1x200x64xf32, #tpu.memory_space<vmem>>
    %dma_wait3A_151 = tpu.memref_squeeze %dma_wait3A_150 : memref<1x200x64xf32, #tpu.memory_space<vmem>> -> memref<200x64xf32, #tpu.memory_space<vmem>>
    tpu.wait_dma2 semaphore(%arg12 : memref<!tpu.dma_semaphore, #tpu.memory_space<semaphore_mem>>) src(%dma_wait3A_151 : memref<200x64xf32, #tpu.memory_space<vmem>>) dst(%dma_wait3A_147 : memref<200x64xf32, #tpu.memory_space<hbm>>)
    return
  }
}

</mosaic_0001>

<sc_bundles>
// kernel: kernel.3.cloned.1.call-start
scs
__scs_entry_jumppad:
0x0: {  	(pc) =	sbr.rel $0x88, $3  }
0x1: {  	(tag) =	ssettag $0x0;
	lr =	simm.s32 $0x1  }
0x2: {  	[smem:$0x3F9F] =	sst lr;
	_ =	strace $0xD0000000  }
0x3: {  	_ = 	snop  }
0x4: {  	_ = 	snop  }
0x5: {  	_ = 	snop  }
0x6: {  	_ = 	snop  }
0x7: {  	_ = 	snop  }
__scs_overlays_trampoline_lowered:
0x8: {  	[smem:$0x3FAE] =	sst s0  }
0x9: {  	[smem:$0x3FAF] =	sst s1  }
0xa: {  	[smem:$0x3FB0] =	sst s2  }
0xb: {  	[smem:$0x3FB1] =	sst s3  }
0xc: {  	[smem:$0x3FB2] =	sst s4  }
0xd: {  	[smem:$0x3FB3] =	sst s5  }
0xe: {  	[smem:$0x3FB4] =	sst s6  }
0xf: {  	[smem:$0x3FB5] =	sst s7  }
0x10: {  	[smem:$0x3FB6] =	sst s8  }
0x11: {  	[smem:$0x3FB7] =	sst s9;
	s0 =	simm.s32 @!p0 $0x0  }
0x12: {  	s1 =	sld [smem:$0x3F9D];
	s0 =	simm.s32 @p0 $0x1  }
0x13: {  	[smem:$0x3FB8] =	sst s0;
	s0 =	simm.s32 @!p1 $0x0  }
0x14: {  	s2 =	sld [smem:$0x3F9C];
	s0 =	simm.s32 @p1 $0x1  }
0x15: {  	[smem:$0x3FB9] =	sst s0;
	s0 =	simm.s32 @!p2 $0x0  }
0x16: {  	s3 =	sld [smem:$0x3FDB];
	s0 =	simm.s32 @p2 $0x1  }
0x17: {  	s4 =	simm.s32 $0x1BF5;
	[smem:$0x3FBB] =	sst s0  }
0x18: {  	s0 =	sld [smem:$0x3F9E];
	_ =	swait.ge [sflag:s4], $0x0  }
0x19: {  	s7 =	sld [smem:$0x3F9F]  }
0x1a: {  	s8 =	sadd.s32 $0xFFFFE003, lr  }
0x1b: {  	s9 =	sadd.s32 $0xFFFFFEF7, lr;
	s5 =	simm.s32 $0xFFFFFFFF;
	p2 =	slt.u32 s8, $0xFFFFF086  }
0x1c: {  	p1 =	slt.u32 s9, $0xF7A;
	s5 =	simm.s32 @!p2 $0x0  }
0x1d: {  	s5 =	simm.s32 @p1 $0x1;
	p0 =	seq.s32 s7, s2  }
0x1e: {  	s7 =	smul.u32 @!p0 $0xF7A, s2;
	p2 =	seq.s32 @!p0 s5, $0x0  }
0x1f: {  	s9 =	smul.u32 $0xF7A, s1;
	s8 =	simm.s32 @!p0 $0x1BF5;
	p2 =	por !p2, p0  }
0x20: {  	[sflag:s8] =	ssyncset.s32 @!p0 $0xFFFFF086;
	s6 =	sadd.s32 @!p0 s3, s7;
	s7 =	simm.s32 @!p0 $0x108  }
0x21: {  	s3 =	sadd.s32 s3, s9;
	s6 =	sadd.s32 @!p0 $0x88, s6;
	s7 =	simm.s32 @p2 $0x1082  }
0x22: {  	[simem:s7], [sflag:s8] =	dma.local @!p0 [hbm:s6], $0xF7A  }
0x23: {  	s9 =	sor.u32 $0xD0000000, s2;
	s6 =	simm.s32 $0x108;
	_ =	swait.ge @!p0 [sflag:s8], $0x0  }
0x24: {  	s3 =	sadd.s32 $0x88, s3;
	s6 =	simm.s32 @!p1 $0x1082;
	[sflag:s4] =	ssyncset.s32 $0xFFFFF086  }
0x25: {  	[simem:s6], [sflag:s4] =	dma.local [hbm:s3], $0xF7A  }
0x26: {  	[smem:$0x3F9F] =	sst s1;
	(tag) =	ssettag s2;
	_ =	strace s9  }
0x27: {  	s1 =	sld [smem:$0x3FAF]  }
0x28: {  	s2 =	sld [smem:$0x3FB0]  }
0x29: {  	s4 =	sld [smem:$0x3FB2]  }
0x2a: {  	p0 =	seq.s32 s5, $0x0;
	s5 =	sld [smem:$0x3FB3]  }
0x2b: {  	s6 =	sld [smem:$0x3FB4]  }
0x2c: {  	s7 =	sld [smem:$0x3FB5]  }
0x2d: {  	s3 =	simm.s32 $0x108;
	s8 =	sld [smem:$0x3FB6]  }
0x2e: {  	s3 =	simm.s32 @!p0 $0x1082;
	s9 =	sld [smem:$0x3FB7]  }
0x2f: {  	lr =	sadd.s32 s0, s3;
	s0 =	sld [smem:$0x3FAE]  }
0x30: {  	s3 =	sld [smem:$0x3FB1]  }
0x31: {  	[smem:$0x3FBA] =	sst s10  }
0x32: {  	s10 =	sld [smem:$0x3FB8];
	_ =	sdelay $0x3  }
0x33: {  	p0 =	seq.s32 s10, $0x1;
	s10 =	sld [smem:$0x3FBA];
	_ =	sdelay $0x3  }
0x34: {  	[smem:$0x3FBA] =	sst s10  }
0x35: {  	s10 =	sld [smem:$0x3FB9];
	_ =	sdelay $0x3  }
0x36: {  	p1 =	seq.s32 s10, $0x1;
	s10 =	sld [smem:$0x3FBA];
	_ =	sdelay $0x3  }
0x37: {  	[smem:$0x3FBA] =	sst s10  }
0x38: {  	s10 =	sld [smem:$0x3FBB]  }
0x39: {  	_ = 	snop;
	(pc) =	sbr.ind lr, $3  }
0x3a: {  	_ = 	snop  }
0x3b: {  	_ = 	snop  }
0x3c: {  	p2 =	seq.s32 s10, $0x1;
	s10 =	sld [smem:$0x3FBA]  }
0x3d: {  	_ =	shalt  }
0x3e: {  	_ =	shalt  }
0x3f: {  	_ =	shalt  }
0x40: {  	_ =	shalt  }
0x41: {  	_ =	shalt  }
0x42: {  	_ =	shalt  }
0x43: {  	_ =	shalt  }
0x44: {  	_ =	shalt  }
0x45: {  	_ =	shalt  }
0x46: {  	_ =	shalt  }
0x47: {  	_ =	shalt  }
0x48: {  	_ =	shalt  }
0x49: {  	_ =	shalt  }
0x4a: {  	_ =	shalt  }
0x4b: {  	_ =	shalt  }
0x4c: {  	_ =	shalt  }
0x4d: {  	_ =	shalt  }
0x4e: {  	_ =	shalt  }
0x4f: {  	_ =	shalt  }
0x50: {  	_ =	shalt  }
0x51: {  	_ =	shalt  }
0x52: {  	_ =	shalt  }
0x53: {  	_ =	shalt  }
0x54: {  	_ =	shalt  }
0x55: {  	_ =	shalt  }
0x56: {  	_ =	shalt  }
0x57: {  	_ =	shalt  }
0x58: {  	_ =	shalt  }
0x59: {  	_ =	shalt  }
0x5a: {  	_ =	shalt  }
0x5b: {  	_ =	shalt  }
0x5c: {  	_ =	shalt  }
0x5d: {  	_ =	shalt  }
0x5e: {  	_ =	shalt  }
0x5f: {  	_ =	shalt  }
0x60: {  	_ =	shalt  }
0x61: {  	_ =	shalt  }
0x62: {  	_ =	shalt  }
0x63: {  	_ =	shalt  }
0x64: {  	_ =	shalt  }
0x65: {  	_ =	shalt  }
0x66: {  	_ =	shalt  }
0x67: {  	_ =	shalt  }
0x68: {  	_ =	shalt  }
0x69: {  	_ =	shalt  }
0x6a: {  	_ =	shalt  }
0x6b: {  	_ =	shalt  }
0x6c: {  	_ =	shalt  }
0x6d: {  	_ =	shalt  }
0x6e: {  	_ =	shalt  }
0x6f: {  	_ =	shalt  }
0x70: {  	_ =	shalt  }
0x71: {  	_ =	shalt  }
0x72: {  	_ =	shalt  }
0x73: {  	_ =	shalt  }
0x74: {  	_ =	shalt  }
0x75: {  	_ =	shalt  }
0x76: {  	_ =	shalt  }
0x77: {  	_ =	shalt  }
0x78: {  	_ =	shalt  }
0x79: {  	_ =	shalt  }
0x7a: {  	_ =	shalt  }
0x7b: {  	_ =	shalt  }
0x7c: {  	_ =	shalt  }
0x7d: {  	_ =	shalt  }
0x7e: {  	_ =	shalt  }
0x7f: {  	_ =	shalt  }
0x80: {  	_ =	shalt  }
0x81: {  	_ =	shalt  }
0x82: {  	_ =	shalt  }
0x83: {  	_ =	shalt  }
0x84: {  	_ =	shalt  }
0x85: {  	_ =	shalt  }
0x86: {  	_ =	shalt  }
0x87: {  	_ =	shalt  }
.Lfunc_end0:
.L_simem_size_0:
called_computation.1_lowered:
.L_overlay_start_0:
0x88: {  	s2 =	sld [smem:$0x3FD9]  }
0x89: {  	s3 =	sld [smem:$0x3FFE];
	_ =	sdelay $0x1  }
0x8a: {  	s1 =	srdreg.scid  }
0x8b: {  	s0 =	sand.u32 $0x1, s1  }
0x8c: {  	s17 =	sshll.u32 s0, $0xA;
	s2 =	sadd.s32 s3, s2  }
0x8d: {  	s2 =	sadd.s32 s2, s17  }
0x8e: {  	[smem:$0x3FC6] =	sst s2  }
0x8f: {  	_ = 	snop  }
0x90: {  	s2 =	sld [smem:$0x3FD0];
	(tm) =	ssettm $0x1  }
0x91: {  	s18 =	sld [smem:$0x3FFB];
	_ =	sdelay $0x3  }
0x92: {  	_ =	strace s18  }
0x93: {  	s3 =	sld [smem:$0x3FFC];
	_ =	sdelay $0x3  }
0x94: {  	_ =	strace s3  }
0x95: {  	s3 =	sld [smem:$0x3FFD];
	_ =	sdelay $0x3  }
0x96: {  	_ =	strace s3  }
0x97: {  	_ =	strace $0x8FFFFFFF  }
0x98: {  	s19 =	sld [smem:$0x3FDB];
	_ =	sdelay $0x1  }
0x99: {  	s4 =	simm.s32 $_scs_section_size  }
0x9a: {  	s5 =	simm.s32 $_size__tile_overlayer_lowered;
	s6 =	simm.s32 $_tile_overlayer_lowered  }
0x9b: {  	s22 =	simm.s32 $0x1BFF;
	s21 =	sshll.u32 s6, $0x1;
	s3 =	sadd.s32 s4, s19  }
0x9c: {  	s7 =	simm.s32 $0x0;
	s20 =	sshll.u32 s5, $0x1;
	s5 =	sadd.s32 s21, s3  }
0x9d: {  	[timem:s7], [sflag:s22] =	dma.local [hbm:s5], s20  }
0x9e: {  	_ =	swait.ge [sflag:s22], s20  }
0x9f: {  	s4 =	ssub.s32 $0x0, s20;
	[sflag:s22] =	ssyncset.done $0x0  }
0xa0: {  	[sflag:s22] =	ssyncadd.s32 s4;
	_ =	sdelay $0x1  }
0xa1: {  	s23 =	simm.s32 $0x1B8B  }
0xa2: {  	_ =	swait.ge [sflag:s23], $0x1  }
0xa3: {  	[sflag:s23] =	ssyncset.done $0x0  }
0xa4: {  	s25 =	simm.s32 $0x1B8E;
	s24 =	sld [smem:$0x3FFE];
	[sflag:s23] =	ssyncadd.s32 $0xFFFFFFFF  }
0xa5: {  	s26 =	simm.s32 $execute0_lowered;
	[smem:$0x3FD2] =	sst s25  }
0xa6: {  	s5 =	sshll.u32 s26, $0x1;
	_ =	strace $0x80000046;
	[dreg:$0x1] =	wrdreg $0xFFFFFFFF  }
0xa7: {  	s28 =	simm.s32 $_size_execute0_lowered;
	s3 =	sadd.s32 s3, s5;
	[dreg:$0x0] =	wrdreg $0x0  }
0xa8: {  	s5 =	sshll.u32 s28, $0x1;
	[dreg:$0x2] =	wrdreg s3  }
0xa9: {  	[dreg:$0x3] =	wrdreg s5  }
0xaa: {  	[dreg:$0x4] =	wrdreg $0xC0  }
0xab: {  	_ =	task [dreg:s7], $0x5FFFF  }
0xac: {  	[dreg:$0x1] =	wrdreg $0xFFFFFFFF  }
0xad: {  	[dreg:$0x0] =	wrdreg $0x60  }
0xae: {  	[dreg:$0x2] =	wrdreg s24  }
0xaf: {  	[dreg:$0x3] =	wrdreg s2  }
0xb0: {  	[dreg:$0x4] =	wrdreg $0x9  }
0xb1: {  	_ =	task.clear_ibuf [dreg:s7], $0x5FFFF;
	_ =	strace $0x90000046  }
0xb2: {  	s29 =	simm.s32 $0x9;
	_ =	strace $0x80000048  }
0xb3: {  	_ =	swait.ge [sflag:s29], $0x1  }
0xb4: {  	[sflag:s29] =	ssyncadd.s32 $0xFFFFFFFF  }
0xb5: {  	_ =	strace $0x90000048  }
0xb6: {  	_ =	sfence  }
0xb7: {  	s30 =	sld [smem:$0x0];
	_ =	sdelay $0x2  }
0xb8: {  	s31 =	sshll.u32 s1, $0xD;
	s1 =	sshrl.u32 s1, $0x2  }
0xb9: {  	s3 =	sand.u32 $0x4000, s31;
	s1 =	sadd.s32 s1, s30  }
0xba: {  	s0 =	sor.u32 s3, s0;
	s1 =	sshll.u32 s1, $0x11  }
0xbb: {  	s0 =	sor.u32 s1, s0  }
0xbc: {  	s0 =	sadd.s32 $0x8F2B, s0  }
0xbd: {  	[sflag:s0] =	ssyncadd.remote.s32 $0x1  }
0xbe: {  	_ =	sfence.sel $0xFFFF  }
0xbf: {  	[dreg:$0x0] =	wrdreg $0xFFFFFFFF;
	(pc) =	sbr.abs _section_cstart, $3  }
0xc0: {  	[dreg:$0x1] =	wrdreg $0xFFFFFFFF  }
0xc1: {  	_ =	task.clear_ibuf [dreg:s7], $0x2FFFF;
	_ =	strace $0x9FFFFFFF  }
0xc2: {  	(tm) =	ssettm $0x7FFFFFFF  }
0xc3: {  	_ =	shalt  }
tec
execute0_lowered:
.L_overlay_start_1:
0x0: {  	(tag) =	ssettag $0x1  }
0x1: {  	s0 =	rddreg [dreg:$0x0]  }
0x2: {  	s2 =	rddreg [dreg:$0x1];
	s1 =	srdreg.scid;
	s3 =	simm.s32 $0x0  }
0x3: {  	s4 =	stileid.u32;
	s12 =	simm.s32 $0x5;
	s13 =	simm.s32 $0x64  }
0x4: {  	s14 =	simm.s32 $0x340;
	s18 =	simm.s32 $0x3540;
	s21 =	simm.s32 $0x1A0  }
0x5: {  	s22 =	simm.s32 $0x6740;
	s23 =	simm.s32 $0x208;
	s24 =	simm.s32 $0x8040  }
0x6: {  	s28 =	simm.s32 $0x2D8;
	s29 =	simm.s32 $0xB240;
	s30 =	simm.s32 $0x1  }
0x7: {  	s31 =	simm.s32 $0x2;
	s11 =	simm.s32 $0x0;
	s1 =	sand.u32 $0x1, s1  }
0x8: {  	[smem:$0x7FF] =	sst s3;
	s4 =	sshll.u32 s4, $0x7;
	s6 =	sadd.s32 $0xF43E00, s0  }
0x9: {  	s5 =	sshll.u32 s1, $0x6;
	_ =	strace $0x80000047;
	s1 =	ssub.s32 $0x2, s1  }
0xa: {  	s4 =	sor.u32 s5, s4;
	s5 =	sadd.s32 $0x1A00, s0;
	s0 =	sadd.s32 $0xC00, s0  }
0xb: {  	s25 =	sshrl.u32 s1, $0x1;
	s7 =	smul.u32 $0x34, s4;
	[dreg:$0x3] =	wrdreg s0  }
0xc: {  	s0 =	ssub.s32 s1, s25;
	s9 =	sor.u32 $0x2, s4;
	s25 =	simm.s32 $0x270  }
0xd: {  	s1 =	simm.s32 $0x4;
	s10 =	smax.u32 s0, $0x1;
	s26 =	sadd.s32 s5, s7  }
0xe: {  	s0 =	simm.s32 $0x3;
	[dreg:$0x4] =	wrdreg s26;
	s26 =	simm.s32 $0x9940  }
.LBB2_1:
0xf: {  	s7 =	rddreg [dreg:$0x3];
	s8 =	simm.s32 $0xCB40  }
0x10: {  	[tilespmem:s8], [sflag:$0x5] =	stream.linear.gather [hbm4b:s7+s3], $0x6400, $0x38;
	[tilespmem:$0x12F40] =	vst v63  }
0x11: {  	_ =	swait.ge [sflag:s12], $0x6400  }
0x12: {  	[sflag:s12] =	ssyncset.done $0x0  }
0x13: {  	s8 =	rddreg [dreg:$0x4];
	[sflag:s12] =	ssyncadd.s32 $0xFFFF9C00  }
0x14: {  	[tilespmem:s3], [sflag:$0x5] =	stream.linear.gather [hbm4b:s8+s3], $0x1A0, $0x38;
	[tilespmem:$0x12F40] =	vst v63  }
0x15: {  	_ =	swait.ge [sflag:s12], $0x1A0  }
0x16: {  	[sflag:s12] =	ssyncset.done $0x0  }
0x17: {  	[sflag:s12] =	ssyncadd.s32 $0xFFFFFE60  }
0x18: {  	[tilespmem:s14], [sflag:$0x1] =	stream.indirect.gather [hbm4b:s6+s13], $0x40, s3, s13, $0xb8;
	[tilespmem:$0x12F40] =	vst v63  }
0x19: {  	s15 =	simm.s32 $0x68;
	s16 =	simm.s32 $0x1C40  }
0x1a: {  	[tilespmem:s16], [sflag:$0x1] =	stream.indirect.gather [hbm4b:s6+s13], $0x40, s15, s13, $0xb8;
	[tilespmem:$0x12F40] =	vst v63  }
0x1b: {  	s17 =	simm.s32 $0xD0  }
0x1c: {  	[tilespmem:s18], [sflag:$0x1] =	stream.indirect.gather [hbm4b:s6+s13], $0x40, s17, s13, $0xb8;
	[tilespmem:$0x12F40] =	vst v63  }
0x1d: {  	s19 =	simm.s32 $0x138;
	s20 =	simm.s32 $0x4E40;
	s15 =	simm.s32 $0x0  }
0x1e: {  	[tilespmem:s20], [sflag:$0x1] =	stream.indirect.gather [hbm4b:s6+s13], $0x40, s19, s13, $0xb8;
	[tilespmem:$0x12F40] =	vst v63  }
.LBB2_2:
0x1f: {  	p0 =	seq.s32 s15, $0x0  }
0x20: {  	s7 =	simm.s32 @!p0 $0x4  }
0x21: {  	s17 =	sshll.u32 s15, $0x1;
	_ =	swait.ge @!p0 [sflag:s7], $0x3200  }
0x22: {  	s19 =	sor.u32 s17, s4;
	[sflag:s7] =	ssyncset.done @!p0 $0x0  }
0x23: {  	s16 =	sor.u32 $0x1, s19;
	[sflag:s7] =	ssyncadd.s32 @!p0 $0xFFFFCE00  }
0x24: {  	s8 =	smul.u32 $0x34, s16;
	_ =	swait.ge @!p0 [sflag:s7], $0x3200  }
0x25: {  	[sflag:s7] =	ssyncset.done @!p0 $0x0  }
0x26: {  	s20 =	simm.s32 $0x0;
	s8 =	sadd.s32 s5, s8;
	[sflag:s7] =	ssyncadd.s32 @!p0 $0xFFFFCE00  }
0x27: {  	[tilespmem:s21], [sflag:$0x5] =	stream.linear.gather [hbm4b:s8+s20], $0x1A0, $0x38;
	[tilespmem:$0x12F40] =	vst v63  }
0x28: {  	_ =	swait.ge [sflag:s12], $0x1A0  }
0x29: {  	[sflag:s12] =	ssyncset.done $0x0  }
0x2a: {  	[sflag:s12] =	ssyncadd.s32 $0xFFFFFE60  }
0x2b: {  	[tilespmem:s22], [sflag:$0x2] =	stream.indirect.gather [hbm4b:s6+s13], $0x40, s21, s13, $0xb8;
	[tilespmem:$0x12F40] =	vst v63  }
0x2c: {  	_ = 	snop  }
0x2d: {  	[tilespmem:s24], [sflag:$0x2] =	stream.indirect.gather [hbm4b:s6+s13], $0x40, s23, s13, $0xb8;
	[tilespmem:$0x12F40] =	vst v63  }
0x2e: {  	_ = 	snop  }
0x2f: {  	[tilespmem:s26], [sflag:$0x2] =	stream.indirect.gather [hbm4b:s6+s13], $0x40, s25, s13, $0xb8;
	[tilespmem:$0x12F40] =	vst v63  }
0x30: {  	_ = 	snop  }
0x31: {  	[tilespmem:s29], [sflag:$0x2] =	stream.indirect.gather [hbm4b:s6+s13], $0x40, s28, s13, $0xb8;
	[tilespmem:$0x12F40] =	vst v63  }
0x32: {  	_ =	swait.ge [sflag:s30], $0x1900  }
0x33: {  	[sflag:s30] =	ssyncset.done $0x0  }
0x34: {  	[sflag:s30] =	ssyncadd.s32 $0xFFFFE700  }
0x35: {  	_ =	swait.ge [sflag:s30], $0x1900  }
0x36: {  	[sflag:s30] =	ssyncset.done $0x0  }
0x37: {  	[sflag:s30] =	ssyncadd.s32 $0xFFFFE700  }
0x38: {  	_ =	swait.ge [sflag:s30], $0x1900  }
0x39: {  	[sflag:s30] =	ssyncset.done $0x0  }
0x3a: {  	[sflag:s30] =	ssyncadd.s32 $0xFFFFE700  }
0x3b: {  	_ =	swait.ge [sflag:s30], $0x1900  }
0x3c: {  	[sflag:s30] =	ssyncset.done $0x0  }
0x3d: {  	s20 =	simm.s32 $0x0;
	[sflag:s30] =	ssyncadd.s32 $0xFFFFE700  }
0x3e: {  	v1 =	vld [tilespmem:s20+$0xCB70]  }
0x3f: {  	v2 =	vld [tilespmem:s20+$0xCB40]  }
0x40: {  	v3 =	vld [tilespmem:s20+$0xCB50]  }
0x41: {  	v0 =	vld [tilespmem:s20+$0xCB60];
	_ =	sdelay $0x1  }
0x42: {  	[tilespmem:s20+$0x370] =	vst.add.f32.msk $0xffff, v1  }
0x43: {  	[tilespmem:s20+$0x340] =	vst.add.f32.msk $0xffff, v2  }
0x44: {  	s7 =	simm.s32 $0x40;
	s8 =	simm.s32 $0x200;
	[tilespmem:s20+$0x350] =	vst.add.f32.msk $0xffff, v3  }
.LBB2_3:
0x45: {  	p0 =	sne.s32 s8, $0x18F00;
	v1 =	vld [tilespmem:s7+$0xCB70];
	v2 =	vmov v0  }
0x46: {  	v3 =	vld [tilespmem:s7+$0xCB40]  }
0x47: {  	v4 =	vld [tilespmem:s7+$0xCB50]  }
.Ltmp0:
0x48: {  	v0 =	vld [tilespmem:s7+$0xCB60];
	(pc) =	sbr.rel @p0 .LBB2_3-.Ltmp0, $4  }
0x49: {  	[tilespmem:s20+$0x360] =	vst.add.f32.msk $0xffff, v2;
	s20 =	smov.u32 s7  }
0x4a: {  	[tilespmem:s20+$0x370] =	vst.add.f32.msk $0xffff, v1  }
0x4b: {  	[tilespmem:s20+$0x340] =	vst.add.f32.msk $0xffff, v3  }
0x4c: {  	s7 =	sshra.s32 s8, $0x2;
	s8 =	sadd.s32 $0x100, s8;
	[tilespmem:s20+$0x350] =	vst.add.f32.msk $0xffff, v4  }
0x4d: {  	v1 =	vld [tilespmem:s7+$0xCB70]  }
0x4e: {  	v2 =	vld [tilespmem:s7+$0xCB40]  }
0x4f: {  	v3 =	vld [tilespmem:s7+$0xCB50]  }
0x50: {  	v4 =	vld [tilespmem:s7+$0xCB60]  }
0x51: {  	[tilespmem:s20+$0x360] =	vst.add.f32.msk $0xffff, v0;
	s8 =	smul.u32 $0xC80, s19  }
0x52: {  	s19 =	smul.u32 $0x6400, s19;
	[tilespmem:s7+$0x370] =	vst.add.f32.msk $0xffff, v1  }
0x53: {  	[tilespmem:s7+$0x340] =	vst.add.f32.msk $0xffff, v2  }
0x54: {  	s20 =	sshrl.u32 s19, $0x3;
	[tilespmem:s7+$0x350] =	vst.add.f32.msk $0xffff, v3  }
0x55: {  	s8 =	sadd.s32 s2, s8;
	[tilespmem:s7+$0x360] =	vst.add.f32.msk $0xffff, v4;
	s7 =	sadd.s32 s2, s20  }
0x56: {  	[hbm4b:s8+s3] =	stream.linear.scatter [tilespmem:s14], [sflag:$0x3], $0x3200, $0x38;
	[tilespmem:$0x12F40] =	vst v63  }
0x57: {  	p0 =	seq.s32 s15, $0x1F;
	s7 =	sadd.s32 $0x640, s7  }
0x58: {  	[hbm4b:s7+s3] =	stream.linear.scatter [tilespmem:s18], [sflag:$0x3], $0x3200, $0x38;
	[tilespmem:$0x12F40] =	vst v63  }
0x59: {  	s7 =	simm.s32 @!p0 $0x3  }
0x5a: {  	_ =	swait.ge @!p0 [sflag:s7], $0x3200  }
0x5b: {  	[sflag:s7] =	ssyncset.done @!p0 $0x0  }
0x5c: {  	s8 =	sadd.s32 @!p0 s17, s9;
	[sflag:s7] =	ssyncadd.s32 @!p0 $0xFFFFCE00  }
0x5d: {  	s8 =	smul.u32 @!p0 $0x34, s8;
	_ =	swait.ge @!p0 [sflag:s7], $0x3200  }
0x5e: {  	[sflag:s7] =	ssyncset.done @!p0 $0x0  }
0x5f: {  	[sflag:s7] =	ssyncadd.s32 @!p0 $0xFFFFCE00;
	s7 =	sadd.s32 @!p0 s5, s8;
	s8 =	simm.s32 @!p0 $0x0  }
0x60: {  	[tilespmem:s8], [sflag:$0x5] =	stream.linear.gather @!p0 [hbm4b:s7+s8], $0x1A0, $0x38;
	[tilespmem:$0x12F40] =	vst v63  }
0x61: {  	s7 =	simm.s32 @!p0 $0x5  }
0x62: {  	_ =	swait.ge @!p0 [sflag:s7], $0x1A0  }
0x63: {  	[sflag:s7] =	ssyncset.done @!p0 $0x0  }
0x64: {  	s17 =	simm.s32 @!p0 $0x340;
	[sflag:s7] =	ssyncadd.s32 @!p0 $0xFFFFFE60;
	s7 =	simm.s32 @!p0 $0x64  }
0x65: {  	[tilespmem:s17], [sflag:$0x1] =	stream.indirect.gather @!p0 [hbm4b:s6+s7], $0x40, s8, s7, $0xb8;
	[tilespmem:$0x12F40] =	vst v63  }
0x66: {  	s8 =	simm.s32 @!p0 $0x68;
	s17 =	simm.s32 @!p0 $0x1C40  }
0x67: {  	[tilespmem:s17], [sflag:$0x1] =	stream.indirect.gather @!p0 [hbm4b:s6+s7], $0x40, s8, s7, $0xb8;
	[tilespmem:$0x12F40] =	vst v63  }
0x68: {  	s8 =	simm.s32 @!p0 $0xD0;
	s17 =	simm.s32 @!p0 $0x3540  }
0x69: {  	[tilespmem:s17], [sflag:$0x1] =	stream.indirect.gather @!p0 [hbm4b:s6+s7], $0x40, s8, s7, $0xb8;
	[tilespmem:$0x12F40] =	vst v63  }
0x6a: {  	s8 =	simm.s32 @!p0 $0x138;
	s17 =	simm.s32 @!p0 $0x4E40  }
0x6b: {  	[tilespmem:s17], [sflag:$0x1] =	stream.indirect.gather @!p0 [hbm4b:s6+s7], $0x40, s8, s7, $0xb8;
	[tilespmem:$0x12F40] =	vst v63  }
0x6c: {  	_ =	swait.ge [sflag:s31], $0x1900  }
0x6d: {  	[sflag:s31] =	ssyncset.done $0x0  }
0x6e: {  	[sflag:s31] =	ssyncadd.s32 $0xFFFFE700  }
0x6f: {  	_ =	swait.ge [sflag:s31], $0x1900  }
0x70: {  	[sflag:s31] =	ssyncset.done $0x0  }
0x71: {  	[sflag:s31] =	ssyncadd.s32 $0xFFFFE700  }
0x72: {  	_ =	swait.ge [sflag:s31], $0x1900  }
0x73: {  	[sflag:s31] =	ssyncset.done $0x0  }
0x74: {  	[sflag:s31] =	ssyncadd.s32 $0xFFFFE700  }
0x75: {  	_ =	swait.ge [sflag:s31], $0x1900  }
0x76: {  	[sflag:s31] =	ssyncset.done $0x0  }
0x77: {  	s17 =	simm.s32 $0x0;
	[sflag:s31] =	ssyncadd.s32 $0xFFFFE700  }
0x78: {  	v1 =	vld [tilespmem:s17+$0xCB70]  }
0x79: {  	v2 =	vld [tilespmem:s17+$0xCB40]  }
0x7a: {  	v3 =	vld [tilespmem:s17+$0xCB50]  }
0x7b: {  	v0 =	vld [tilespmem:s17+$0xCB60];
	_ =	sdelay $0x1  }
0x7c: {  	[tilespmem:s17+$0x6770] =	vst.add.f32.msk $0xffff, v1  }
0x7d: {  	[tilespmem:s17+$0x6740] =	vst.add.f32.msk $0xffff, v2  }
0x7e: {  	s7 =	simm.s32 $0x40;
	s8 =	simm.s32 $0x200;
	[tilespmem:s17+$0x6750] =	vst.add.f32.msk $0xffff, v3  }
.LBB2_5:
0x7f: {  	p0 =	sne.s32 s8, $0x18F00;
	v1 =	vld [tilespmem:s7+$0xCB70];
	v2 =	vmov v0  }
0x80: {  	v3 =	vld [tilespmem:s7+$0xCB40]  }
0x81: {  	v4 =	vld [tilespmem:s7+$0xCB50]  }
.Ltmp1:
0x82: {  	v0 =	vld [tilespmem:s7+$0xCB60];
	(pc) =	sbr.rel @p0 .LBB2_5-.Ltmp1, $4  }
0x83: {  	[tilespmem:s17+$0x6760] =	vst.add.f32.msk $0xffff, v2;
	s17 =	smov.u32 s7  }
0x84: {  	[tilespmem:s17+$0x6770] =	vst.add.f32.msk $0xffff, v1  }
0x85: {  	[tilespmem:s17+$0x6740] =	vst.add.f32.msk $0xffff, v3  }
0x86: {  	s7 =	sshra.s32 s8, $0x2;
	s8 =	sadd.s32 $0x100, s8;
	[tilespmem:s17+$0x6750] =	vst.add.f32.msk $0xffff, v4  }
0x87: {  	v1 =	vld [tilespmem:s7+$0xCB70]  }
0x88: {  	v2 =	vld [tilespmem:s7+$0xCB40]  }
0x89: {  	v3 =	vld [tilespmem:s7+$0xCB50]  }
0x8a: {  	v4 =	vld [tilespmem:s7+$0xCB60]  }
0x8b: {  	[tilespmem:s17+$0x6760] =	vst.add.f32.msk $0xffff, v0  }
0x8c: {  	s19 =	smul.u32 $0x6400, s16;
	s15 =	sadd.s32 $0x1, s15;
	[tilespmem:s7+$0x6770] =	vst.add.f32.msk $0xffff, v1  }
0x8d: {  	s8 =	smul.u32 $0xC80, s16;
	p0 =	sne.s32 s15, $0x20;
	[tilespmem:s7+$0x6740] =	vst.add.f32.msk $0xffff, v2  }
.Ltmp2:
0x8e: {  	s20 =	sshrl.u32 s19, $0x3;
	[tilespmem:s7+$0x6750] =	vst.add.f32.msk $0xffff, v3;
	(pc) =	sbr.rel @p0 .LBB2_2-.Ltmp2, $4  }
0x8f: {  	s17 =	sadd.s32 s2, s8;
	[tilespmem:s7+$0x6760] =	vst.add.f32.msk $0xffff, v4;
	s7 =	sadd.s32 s2, s20  }
0x90: {  	[hbm4b:s17+s3] =	stream.linear.scatter [tilespmem:s22], [sflag:$0x4], $0x3200, $0x38;
	[tilespmem:$0x12F40] =	vst v63  }
0x91: {  	s7 =	sadd.s32 $0x640, s7  }
0x92: {  	[hbm4b:s7+s3] =	stream.linear.scatter [tilespmem:s26], [sflag:$0x4], $0x3200, $0x38;
	[tilespmem:$0x12F40] =	vst v63  }
0x93: {  	_ =	swait.ge [sflag:s0], $0x3200  }
0x94: {  	[sflag:s0] =	ssyncset.done $0x0  }
0x95: {  	[sflag:s0] =	ssyncadd.s32 $0xFFFFCE00  }
0x96: {  	_ =	swait.ge [sflag:s0], $0x3200  }
0x97: {  	[sflag:s0] =	ssyncset.done $0x0  }
0x98: {  	s11 =	sadd.s32 $0x1, s11;
	[sflag:s0] =	ssyncadd.s32 $0xFFFFCE00  }
0x99: {  	p0 =	sne.s32 s11, s10;
	_ =	swait.ge [sflag:s1], $0x3200  }
.Ltmp3:
0x9a: {  	[sflag:s1] =	ssyncset.done $0x0;
	(pc) =	sbr.rel @p0 .LBB2_1-.Ltmp3, $4  }
0x9b: {  	[sflag:s1] =	ssyncadd.s32 $0xFFFFCE00  }
0x9c: {  	_ =	swait.ge [sflag:s1], $0x3200  }
0x9d: {  	[sflag:s1] =	ssyncset.done $0x0  }
0x9e: {  	[sflag:s1] =	ssyncadd.s32 $0xFFFFCE00  }
0x9f: {  	_ =	sfence.sel $0x180000  }
0xa0: {  	[bflag:$0x0] =	sbarrier.arrive $0xFFFF  }
0xa1: {  	_ =	strace $0x90000047  }
0xa2: {  	s0 =	stileid.u32;
	[bflag:$0x2] =	sbarrier.arrive $0xFFFF  }
0xa3: {  	p0 =	sne.s32 s0, $0x0;
	s0 =	rddreg [dreg:$0x2]  }
0xa4: {  	s0 =	sadd.s32 @!p0 $0x100000, s0  }
0xa5: {  	[sflag:s0] =	ssyncadd.tile.s32 @!p0 $0x1;
	_ =	shalt  }
.Lfunc_end2:
_tile_overlayer_lowered:
.L_overlay_start_2:
0xa6: {  	(tag) =	ssettag $0x2  }
0xa7: {  	s0 =	rddreg [dreg:$0x0];
	s2 =	stileid.u32  }
0xa8: {  	s1 =	rddreg [dreg:$0x1];
	p0 =	sne.s32 s2, $0x0  }
0xa9: {  	s3 =	rddreg [dreg:$0x2];
	[bflag:$0x3] =	sbarrier.arrive $0xFFFF;
	s2 =	simm.s32 @!p0 $0x1C05  }
0xaa: {  	[timem:s3], [sflag:s2] =	dma.local @!p0 [hbm:s0], s1  }
0xab: {  	s0 =	simm.s32 @!p0 $0x5  }
0xac: {  	_ =	swait.ge @!p0 [sflag:s0], s1  }
0xad: {  	s1 =	ssub.s32 @!p0 $0x0, s1;
	[sflag:s0] =	ssyncset.done @!p0 $0x0  }
0xae: {  	[sflag:s0] =	ssyncadd.s32 @!p0 s1  }
0xaf: {  	[bflag:$0x3] =	sbarrier.arrive $0xFFFF  }
0xb0: {  	_ =	shalt  }

// kernel: sparse-core-data-format-call.cloned.1.call-start
scs
called_computation_lowered:
.L_overlay_start_0:
0x0: {  	s2 =	sld [smem:$0x3FD9]  }
0x1: {  	s3 =	sld [smem:$0x3FFE];
	_ =	sdelay $0x1  }
0x2: {  	s1 =	srdreg.scid  }
0x3: {  	s0 =	sand.u32 $0x1, s1  }
0x4: {  	s18 =	sshll.u32 s0, $0xA;
	s2 =	sadd.s32 s3, s2  }
0x5: {  	s2 =	sadd.s32 s2, s18  }
0x6: {  	[smem:$0x3FC6] =	sst s2  }
0x7: {  	_ = 	snop  }
0x8: {  	s2 =	sld [smem:$0x3FD0];
	(tm) =	ssettm $0x1  }
0x9: {  	s19 =	sld [smem:$0x3FFB];
	_ =	sdelay $0x3  }
0xa: {  	_ =	strace s19  }
0xb: {  	s3 =	sld [smem:$0x3FFC];
	_ =	sdelay $0x3  }
0xc: {  	_ =	strace s3  }
0xd: {  	s3 =	sld [smem:$0x3FFD];
	_ =	sdelay $0x3  }
0xe: {  	_ =	strace s3  }
0xf: {  	_ =	strace $0x8FFFFFFF  }
0x10: {  	s20 =	sld [smem:$0x3FDB];
	_ =	sdelay $0x1  }
0x11: {  	s4 =	simm.s32 $_scs_section_size  }
0x12: {  	s5 =	simm.s32 $_size__tile_overlayer_lowered;
	s6 =	simm.s32 $_tile_overlayer_lowered  }
0x13: {  	s23 =	simm.s32 $0x1BFF;
	s22 =	sshll.u32 s6, $0x1;
	s3 =	sadd.s32 s4, s20  }
0x14: {  	s7 =	simm.s32 $0x0;
	s21 =	sshll.u32 s5, $0x1;
	s5 =	sadd.s32 s22, s3  }
0x15: {  	[timem:s7], [sflag:s23] =	dma.local [hbm:s5], s21  }
0x16: {  	_ =	swait.ge [sflag:s23], s21  }
0x17: {  	s4 =	ssub.s32 $0x0, s21;
	[sflag:s23] =	ssyncset.done $0x0  }
0x18: {  	[sflag:s23] =	ssyncadd.s32 s4;
	_ =	sdelay $0x1  }
0x19: {  	s24 =	simm.s32 $0x1B8B  }
0x1a: {  	_ =	swait.ge [sflag:s24], $0x1  }
0x1b: {  	[sflag:s24] =	ssyncset.done $0x0  }
0x1c: {  	s26 =	simm.s32 $0x1B8E;
	s25 =	sld [smem:$0x3FFE];
	[sflag:s24] =	ssyncadd.s32 $0xFFFFFFFF  }
0x1d: {  	s27 =	simm.s32 $execute0_lowered;
	[smem:$0x3FD2] =	sst s26  }
0x1e: {  	s5 =	sshll.u32 s27, $0x1;
	_ =	strace $0x80000049;
	[dreg:$0x1] =	wrdreg $0xFFFFFFFF  }
0x1f: {  	s28 =	simm.s32 $_size_execute0_lowered;
	s3 =	sadd.s32 s3, s5;
	[dreg:$0x0] =	wrdreg $0x0  }
0x20: {  	s5 =	sshll.u32 s28, $0x1;
	[dreg:$0x2] =	wrdreg s3  }
0x21: {  	[dreg:$0x3] =	wrdreg s5  }
0x22: {  	[dreg:$0x4] =	wrdreg $0xC0  }
0x23: {  	_ =	task [dreg:s7], $0x5FFFF  }
0x24: {  	[dreg:$0x1] =	wrdreg $0xFFFFFFFF  }
0x25: {  	[dreg:$0x0] =	wrdreg $0x60  }
0x26: {  	[dreg:$0x2] =	wrdreg s25  }
0x27: {  	[dreg:$0x3] =	wrdreg s2  }
0x28: {  	[dreg:$0x4] =	wrdreg $0x9  }
0x29: {  	_ =	task.clear_ibuf [dreg:s7], $0x5FFFF;
	_ =	strace $0x90000049  }
0x2a: {  	s29 =	simm.s32 $0x9;
	_ =	strace $0x8000004B  }
0x2b: {  	_ =	swait.ge [sflag:s29], $0x1  }
0x2c: {  	[sflag:s29] =	ssyncadd.s32 $0xFFFFFFFF  }
0x2d: {  	_ =	strace $0x9000004B  }
0x2e: {  	_ =	sfence  }
0x2f: {  	s30 =	sld [smem:$0x0];
	_ =	sdelay $0x2  }
0x30: {  	s31 =	sshll.u32 s1, $0xD;
	s1 =	sshrl.u32 s1, $0x2  }
0x31: {  	s3 =	sand.u32 $0x4000, s31;
	s1 =	sadd.s32 s1, s30  }
0x32: {  	s0 =	sor.u32 s3, s0;
	s1 =	sshll.u32 s1, $0x11  }
0x33: {  	s0 =	sor.u32 s1, s0  }
0x34: {  	s0 =	sadd.s32 $0x8F2B, s0  }
0x35: {  	[sflag:s0] =	ssyncadd.remote.s32 $0x1  }
0x36: {  	_ =	sfence.sel $0xFFFF  }
0x37: {  	[dreg:$0x0] =	wrdreg $0xFFFFFFFF;
	(pc) =	sbr.abs _section_cstart, $3  }
0x38: {  	[dreg:$0x1] =	wrdreg $0xFFFFFFFF  }
0x39: {  	_ =	task.clear_ibuf [dreg:s7], $0x2FFFF;
	_ =	strace $0x9FFFFFFF  }
0x3a: {  	(tm) =	ssettm $0x7FFFFFFF  }
0x3b: {  	_ =	shalt  }
tec
execute0_lowered:
.L_overlay_start_1:
0x0: {  	(tag) =	ssettag $0x1  }
0x1: {  	s0 =	srdreg.scid  }
0x2: {  	s1 =	sshll.u32 s0, $0x4  }
0x3: {  	s0 =	stileid.u32;
	s1 =	sand.u32 $0x10, s1  }
0x4: {  	s1 =	sor.u32 s0, s1  }
0x5: {  	s6 =	rddreg [dreg:$0x0];
	s4 =	simm.s32 $0x1;
	s2 =	sshll.u32 s1, $0x7  }
0x6: {  	s7 =	simm.s32 $0x2;
	s12 =	simm.s32 $0x0;
	s1 =	ssub.s32 $0x1000, s2  }
0x7: {  	s8 =	simm.s32 $0x8000;
	s13 =	simm.s32 $0x0;
	s3 =	sand.u32 $0xF80, s1  }
0x8: {  	s9 =	simm.s32 $0x0;
	s5 =	sshrl.u32 s1, $0xC;
	p0 =	sne.s32 s3, $0x0  }
.Ltmp0:
0x9: {  	s1 =	rddreg [dreg:$0x2];
	s4 =	simm.s32 @!p0 $0x0;
	(pc) =	sbr.rel .LBB1_1-.Ltmp0, $4  }
0xa: {  	s11 =	simm.s32 $0x0;
	s3 =	rddreg [dreg:$0x1];
	s5 =	sadd.s32 s4, s5  }
0xb: {  	_ =	strace $0x8000004A;
	s4 =	simm.s32 $0x1;
	s5 =	smul.u32 $0xC8, s5  }
0xc: {  	s6 =	sadd.s32 $0xC00, s6;
	s10 =	smov.u32 s2;
	[sflag:s4] =	ssyncpa.u1 $0x0  }
0xd: {  	p0 =	por $0x0, $0x0;
	[sflag:s7] =	ssyncpa.u1 $0x0;
	s7 =	sor.u32 $0x1, s5  }
.LBB1_4:
0xe: {  	s16 =	sshll.u32 s13, $0x3;
	s17 =	sand.u32 $0x78, s13  }
0xf: {  	s30 =	sand.u32 $0x7E00, s13;
	s12 =	sshll.u32 s12, $0xF;
	s16 =	sand.u32 $0xC00, s16  }
0x10: {  	[tilespmem:s15+$0x810 ss:$0x81] =	vst.msk $0xffff, v2;
	s31 =	sand.u32 $0x7, s13;
	s16 =	sor.u32 s17, s16;
	s17 =	sadd.s32 s3, s30  }
0x11: {  	[tilespmem:s15+$0x1020 ss:$0x81] =	vst.msk $0xffff, v0;
	s13 =	sshll.u32 s31, $0x12;
	s12 =	sadd.s32 s12, s17;
	s16 =	sshrl.u32 s16, $0x3  }
0x12: {  	[tilespmem:s15+$0x0 ss:$0x81] =	vst.msk $0xffff, v1;
	s13 =	sor.u32 $0x400, s13;
	s12 =	sadd.s32 s16, s12  }
0x13: {  	[hbm4b:s12+s13] =	stream.strided.scatter [tilespmem:s14], [sflag:$0x2], $0x2000, s8, s13, $0x20;
	[tilespmem:$0x8080] =	vst v63  }
.LBB1_5:
0x14: {  	s14 =	sadd.s32 $0x1, s9  }
0x15: {  	s12 =	sadd.s32 $0x1000, s10;
	s16 =	smov.u32 s10;
	p2 =	sgt.s32 s14, $0xC7  }
0x16: {  	s16 =	smov.u32 @p2 s12  }
0x17: {  	s14 =	simm.s32 @p2 $0x0;
	p2 =	sgt.s32 s16, $0xFFF  }
0x18: {  	s16 =	smov.u32 @p2 s2;
	p2 =	sne.s32 s11, s7  }
.Ltmp1:
0x19: {  	p1 =	slt.u32 s11, $0x2;
	(pc) =	sbr.rel @!p2 .LBB1_6-.Ltmp1, $4  }
0x1a: {  	s15 =	simm.s32 @!p1 $0x2  }
0x1b: {  	s13 =	smov.u32 s10;
	p0 =	por !p0, !p0;
	_ =	swait.ge @!p1 [sflag:s15], $0x2000  }
0x1c: {  	s12 =	smov.u32 s9;
	[sflag:s15] =	ssyncset.done @!p1 $0x0;
	s9 =	smov.u32 s14  }
0x1d: {  	s11 =	sadd.s32 $0x1, s11;
	[sflag:s15] =	ssyncadd.s32 @!p1 $0xFFFFE000;
	s10 =	smov.u32 s16  }
.LBB1_1:
0x1e: {  	p1 =	sge.u32 s11, s5  }
0x1f: {  	s14 =	sand.u32 @!p1 $0x1FFFFFF, s9  }
0x20: {  	s15 =	smulhi.u32 @!p1 $0x147AE15, s14;
	_ =	sdelay $0x1  }
0x21: {  	s15 =	smul.u32 @!p1 $0xC8, s15  }
0x22: {  	s16 =	sxor.u32 @!p1 $0xFFFFFFFF, s11;
	s17 =	smul.u32 @!p1 $0xC80, s10  }
0x23: {  	s31 =	sadd.s32 $0xFFFFFFFF, s11;
	s16 =	sshll.u32 @!p1 s16, $0xD;
	s14 =	ssub.s32 @!p1 s14, s15  }
0x24: {  	s15 =	sand.u32 @!p1 $0x2000, s16;
	s16 =	sadd.s32 @!p1 s6, s17;
	s14 =	sshll.u32 @!p1 s14, $0x4  }
0x25: {  	s17 =	simm.s32 @!p1 $0x6400;
	s14 =	sadd.s32 @!p1 s14, s16;
	s16 =	simm.s32 @!p1 $0x40  }
0x26: {  	[tilespmem:s15], [sflag:$0x1] =	stream.strided.gather @!p1 [hbm4b:s14+s16], $0x2000, s17, s16, $0x38;
	[tilespmem:$0x8080] =	vst v63  }
0x27: {  	p1 =	sge.u32 s31, s5  }
.Ltmp2:
0x28: {  	_ = 	snop;
	(pc) =	sbr.rel @p1 .LBB1_5-.Ltmp2, $1  }
0x29: {  	_ =	sdelay $0x3  }
0x2a: {  	s14 =	simm.s32 $0x1  }
0x2b: {  	_ =	swait.ge [sflag:s4], $0x2000;
	s14 =	simm.s32 @!p0 $0x0  }
0x2c: {  	[sflag:s4] =	ssyncset.done $0x0;
	s15 =	sshll.u32 s14, $0xD  }
0x2d: {  	[sflag:s4] =	ssyncadd.s32 $0xFFFFE000;
	s18 =	sor.u32 $0x20, s15  }
0x2e: {  	s14 =	smul.u32 $0x8100, s14;
	v3 =	vld [tilespmem:s18+$0x10]  }
0x2f: {  	s30 =	sand.u32 $0x1, s11;
	v2 =	vld [tilespmem:s18+$0xFFFFFFF0]  }
0x30: {  	s15 =	smul.u32 $0x8100, s30;
	s14 =	sshrl.u32 s14, $0x2;
	v0 =	vld [tilespmem:s18+$0x0]  }
0x31: {  	v1 =	vld [tilespmem:s18+$0xFFFFFFE0];
	s16 =	sor.u32 $0x4000, s14  }
0x32: {  	s31 =	sshrl.u32 s15, $0x2;
	s15 =	sadd.s32 $0x0, s16  }
0x33: {  	s17 =	simm.s32 $0x4;
	s18 =	sadd.s32 $0x40, s18;
	s14 =	sor.u32 $0x4000, s31;
	[tilespmem:s15+$0x1830 ss:$0x81] =	vst.msk $0xffff, v3  }
.LBB1_3:
0x34: {  	v3 =	vld [tilespmem:s18+$0x10];
	p1 =	sne.s32 s17, $0x1FC;
	[tilespmem:s15+$0x810 ss:$0x81] =	vst.msk $0xffff, v2;
	s19 =	smov.u32 s17;
	s17 =	sadd.s32 $0x4, s17  }
.Ltmp3:
0x35: {  	v2 =	vld [tilespmem:s18+$0xFFFFFFF0];
	[tilespmem:s15+$0x1020 ss:$0x81] =	vst.msk $0xffff, v0;
	(pc) =	sbr.rel @p1 .LBB1_3-.Ltmp3, $4  }
0x36: {  	v0 =	vld [tilespmem:s18+$0x0];
	[tilespmem:s15+$0x0 ss:$0x81] =	vst.msk $0xffff, v1  }
0x37: {  	s15 =	sshra.s32 s19, $0x2;
	v1 =	vld [tilespmem:s18+$0xFFFFFFE0]  }
0x38: {  	s15 =	sadd.s32 s15, s16  }
0x39: {  	s18 =	sadd.s32 $0x40, s18;
	[tilespmem:s15+$0x1830 ss:$0x81] =	vst.msk $0xffff, v3  }
.Ltmp4:
0x3a: {  	_ = 	snop;
	(pc) =	sbr.rel .LBB1_4-.Ltmp4, $1  }
0x3b: {  	_ =	sdelay $0x3  }
.LBB1_6:
0x3c: {  	_ =	sfence.sel $0x180000  }
0x3d: {  	s2 =	simm.s32 $0x1;
	[bflag:$0x0] =	sbarrier.arrive $0xFFFF  }
0x3e: {  	s31 =	simm.s32 $0x2;
	[sflag:s2] =	ssyncpa.u1 $0x1  }
0x3f: {  	[sflag:s31] =	ssyncpa.u1 $0x1  }
0x40: {  	p0 =	sne.s32 s0, $0x0;
	_ =	strace $0x9000004A  }
0x41: {  	s0 =	sadd.s32 @!p0 $0x100000, s1;
	[bflag:$0x2] =	sbarrier.arrive $0xFFFF  }
0x42: {  	[sflag:s0] =	ssyncadd.tile.s32 @!p0 $0x1;
	_ =	shalt  }
.Lfunc_end1:
_tile_overlayer_lowered:
.L_overlay_start_2:
0x43: {  	(tag) =	ssettag $0x2  }
0x44: {  	s0 =	rddreg [dreg:$0x0];
	s2 =	stileid.u32  }
0x45: {  	s1 =	rddreg [dreg:$0x1];
	p0 =	sne.s32 s2, $0x0  }
0x46: {  	s3 =	rddreg [dreg:$0x2];
	[bflag:$0x3] =	sbarrier.arrive $0xFFFF;
	s2 =	simm.s32 @!p0 $0x1C01  }
0x47: {  	[timem:s3], [sflag:s2] =	dma.local @!p0 [hbm:s0], s1  }
0x48: {  	s0 =	simm.s32 @!p0 $0x1  }
0x49: {  	_ =	swait.ge @!p0 [sflag:s0], s1  }
0x4a: {  	s1 =	ssub.s32 @!p0 $0x0, s1;
	[sflag:s0] =	ssyncset.done @!p0 $0x0  }
0x4b: {  	[sflag:s0] =	ssyncadd.s32 @!p0 s1  }
0x4c: {  	[bflag:$0x3] =	sbarrier.arrive $0xFFFF  }
0x4d: {  	_ =	shalt  }

</sc_bundles>
